<compile_context>
chip_gen: v7x
topology: tpu7x:2x2x1
jax: 0.10.2.dev20260603
libtpu: 0.0.44.dev20260713+nightly
codegen_flags: <defaults>
</compile_context>

<pallas_src>
import functools

import jax
import jax.numpy as jnp
from jax import lax
from jax.experimental import pallas as pl
from jax.experimental.pallas import tpu as pltpu
from jax.experimental.pallas import tpu_sc as plsc

N = 10000
NP = 10240
E = 160000
EP = 163840
D = 256
H = 256
C = 64
NC, NS = 2, 16
CH = 128
CHUNKS = EP // (NS * CH)
RPT = NP // NS
BN = 256
W1 = H // 4
W2 = C // 2



def _dot_t(a, w):
    return lax.dot_general(a, w, (((1,), (1,)), ((), ())),
                           preferred_element_type=jnp.float32)


def _tc1a_body(x_ref, wl_ref, *t_refs):
    p1 = _dot_t(x_ref[...], wl_ref[...])
    for q in range(4):
        t_refs[q][...] = p1[:, q * W1:(q + 1) * W1]


def _tc1b_body(x_ref, wr_ref, b1_ref, r1_ref):
    r1_ref[...] = _dot_t(x_ref[...], wr_ref[...]) + b1_ref[...]


def _hidden(a0_ref, a1_ref, a2_ref, a3_ref, ca_ref, cb_ref, r1_ref):
    cnt = ca_ref[...][:, 0:1] + cb_ref[...][:, 0:1]
    inv = 1.0 / jnp.maximum(cnt, 1.0)
    agg = jnp.concatenate(
        [a0_ref[...], a1_ref[...], a2_ref[...], a3_ref[...]], axis=1)
    return jnp.maximum(agg * inv + r1_ref[...], 0.0)


def _tc2a_body(a0_ref, a1_ref, a2_ref, a3_ref, ca_ref, cb_ref, r1_ref,
               wl_ref, t2_ref):
    h = _hidden(a0_ref, a1_ref, a2_ref, a3_ref, ca_ref, cb_ref, r1_ref)
    t2_ref[...] = _dot_t(h, wl_ref[...])


def _tc2b_body(a0_ref, a1_ref, a2_ref, a3_ref, ca_ref, cb_ref, r1_ref,
               wr_ref, b2_ref, r2_ref):
    h = _hidden(a0_ref, a1_ref, a2_ref, a3_ref, ca_ref, cb_ref, r1_ref)
    r2_ref[...] = _dot_t(h, wr_ref[...]) + b2_ref[...]


def _tc3_body(o0_ref, o1_ref, ca_ref, cb_ref, r2_ref, out_ref):
    cnt = ca_ref[...][:, 0:1] + cb_ref[...][:, 0:1]
    inv = 1.0 / jnp.maximum(cnt, 1.0)
    out_ref[...] = (o0_ref[...] + o1_ref[...]) * inv + r2_ref[...]


BN1 = 1000


def _tc1a(x, w1l):
    blk = lambda i: (i, 0)
    full = lambda i: (0, 0)
    return pl.pallas_call(
        _tc1a_body,
        grid=(N // BN1,),
        in_specs=[
            pl.BlockSpec((BN1, D), blk),
            pl.BlockSpec((H, D), full),
        ],
        out_specs=[pl.BlockSpec((BN1, W1), blk)] * 4,
        out_shape=[jax.ShapeDtypeStruct((N, W1), jnp.float32)] * 4,
    )(x, w1l)


def _tc1b(x, w1r, b1_row):
    blk = lambda i: (i, 0)
    full = lambda i: (0, 0)
    return pl.pallas_call(
        _tc1b_body,
        grid=(N // BN1,),
        in_specs=[
            pl.BlockSpec((BN1, D), blk),
            pl.BlockSpec((H, D), full),
            pl.BlockSpec((1, H), full),
        ],
        out_specs=pl.BlockSpec((BN1, H), blk),
        out_shape=jax.ShapeDtypeStruct((N, H), jnp.float32),
    )(x, w1r, b1_row)


def _tc2a(aggs, ca, cb, r1, w2l):
    blk = lambda i: (i, 0)
    full = lambda i: (0, 0)
    return pl.pallas_call(
        _tc2a_body,
        grid=(N // BN1,),
        in_specs=[pl.BlockSpec((BN1, W1), blk)] * 4
        + [pl.BlockSpec((BN1, 16), blk)] * 2
        + [
            pl.BlockSpec((BN1, H), blk),
            pl.BlockSpec((C, H), full),
        ],
        out_specs=pl.BlockSpec((BN1, C), blk),
        out_shape=jax.ShapeDtypeStruct((N, C), jnp.float32),
    )(*aggs, ca, cb, r1, w2l)


def _tc2b(aggs, ca, cb, r1, w2r, b2_row):
    blk = lambda i: (i, 0)
    full = lambda i: (0, 0)
    return pl.pallas_call(
        _tc2b_body,
        grid=(N // BN1,),
        in_specs=[pl.BlockSpec((BN1, W1), blk)] * 4
        + [pl.BlockSpec((BN1, 16), blk)] * 2
        + [
            pl.BlockSpec((BN1, H), blk),
            pl.BlockSpec((C, H), full),
            pl.BlockSpec((1, C), full),
        ],
        out_specs=pl.BlockSpec((BN1, C), blk),
        out_shape=jax.ShapeDtypeStruct((N, C), jnp.float32),
    )(*aggs, ca, cb, r1, w2r, b2_row)


def _tc3(os, ca, cb, r2):
    bn3 = 400
    blk = lambda i: (i, 0)
    return pl.pallas_call(
        _tc3_body,
        grid=(N // bn3,),
        in_specs=[pl.BlockSpec((bn3, C), blk)] * 2
        + [pl.BlockSpec((bn3, 16), blk)] * 2
        + [pl.BlockSpec((bn3, C), blk)],
        out_specs=pl.BlockSpec((bn3, C), blk),
        out_shape=jax.ShapeDtypeStruct((N, C), jnp.float32),
    )(*os, ca, cb, r2)



@functools.cache
def _make_sc_agg(w, groups, with_counts):
    passes = groups // NC
    mesh = plsc.VectorSubcoreMesh(
        core_axis_name="c", subcore_axis_name="s", num_cores=NC, num_subcores=NS)

    out_type = [jax.ShapeDtypeStruct((NP, w), jnp.float32) for _ in range(groups)]
    scratch = [
        pltpu.VMEM((CHUNKS, CH), jnp.int32),
        pltpu.VMEM((CHUNKS, CH), jnp.int32),
        pltpu.VMEM((CH, w), jnp.float32),
        pltpu.VMEM((CH, w), jnp.float32),
        pltpu.VMEM_SHARED((NP, w), jnp.float32),
        pltpu.SemaphoreType.DMA,
        pltpu.SemaphoreType.DMA,
    ]
    if with_counts:
        out_type += [jax.ShapeDtypeStruct((NP, 16), jnp.float32)] * 2
        scratch += [
            pltpu.VMEM((CH, 16), jnp.float32),
            pltpu.VMEM_SHARED((NP, 16), jnp.float32),
        ]

    @functools.partial(
        pl.kernel, out_type=tuple(out_type), mesh=mesh,
        scratch_types=tuple(scratch),
        compiler_params=pltpu.CompilerParams(use_tc_tiling_on_sc=False))
    def sc_agg(*args):
        tbls = args[:groups]
        srcix, dstix, zrow = args[groups:groups + 3]
        rest = args[groups + 3:]
        if with_counts:
            zcnt, ones_hbm = rest[0:2]
            rest = rest[2:]
        outs = rest[:groups]
        rest = rest[groups:]
        if with_counts:
            cnt_a, cnt_b = rest[0:2]
            src_v, dst_v, r0, r1, acc, s0, s1, ones_v, cacc = rest[2:]
        else:
            src_v, dst_v, r0, r1, acc, s0, s1 = rest
        c = lax.axis_index("c")
        s = lax.axis_index("s")
        rows = pl.ds(s * RPT, RPT)
        pltpu.sync_copy(srcix.at[pl.ds(s * CHUNKS, CHUNKS)], src_v)
        pltpu.sync_copy(dstix.at[pl.ds(s * CHUNKS, CHUNKS)], dst_v)
        if with_counts:
            pltpu.sync_copy(ones_hbm, ones_v)
            pltpu.sync_copy(zcnt, cacc.at[rows])

        def run_pass(tbl, do_counts):
            pltpu.async_copy(tbl.at[src_v.at[0]], r0, s0)

            def body(i, carry):
                j0 = 2 * i
                pltpu.make_async_copy(tbl.at[src_v.at[j0]], r0, s0).wait()
                pltpu.async_copy(tbl.at[src_v.at[j0 + 1]], r1, s1)
                pltpu.sync_copy(r0, acc.at[dst_v.at[j0]], add=True)
                if do_counts == 1:
                    pltpu.sync_copy(ones_v, cacc.at[dst_v.at[j0]], add=True)
                pltpu.make_async_copy(tbl.at[src_v.at[j0 + 1]], r1, s1).wait()

                @pl.when(i < CHUNKS // 2 - 1)
                def _():
                    pltpu.async_copy(tbl.at[src_v.at[j0 + 2]], r0, s0)

                pltpu.sync_copy(r1, acc.at[dst_v.at[j0 + 1]], add=True)
                if do_counts == 2:
                    pltpu.sync_copy(ones_v, cacc.at[dst_v.at[j0 + 1]], add=True)
                return carry

            lax.fori_loop(0, CHUNKS // 2, body, 0)

        for p in range(passes):
            pltpu.sync_copy(zrow, acc.at[rows])
            plsc.subcore_barrier()
            dc = with_counts and p == 0

            @pl.when(c == 0)
            def _():
                run_pass(tbls[p], 1 if dc else 0)

            @pl.when(c == 1)
            def _():
                run_pass(tbls[passes + p], 2 if dc else 0)

            plsc.subcore_barrier()

            out_c0 = outs[p]
            out_c1 = outs[passes + p]

            @pl.when(c == 0)
            def _():
                pltpu.sync_copy(acc.at[rows], out_c0.at[rows])

            @pl.when(c == 1)
            def _():
                pltpu.sync_copy(acc.at[rows], out_c1.at[rows])

        if with_counts:
            @pl.when(c == 0)
            def _():
                pltpu.sync_copy(cacc.at[rows], cnt_a.at[rows])

            @pl.when(c == 1)
            def _():
                pltpu.sync_copy(cacc.at[rows], cnt_b.at[rows])

    return sc_agg


def _sc_agg1(tbls, srcix, dstix, zrow, zcnt, ones_hbm):
    return _make_sc_agg(W1, 4, True)(*tbls, srcix, dstix, zrow, zcnt, ones_hbm)



CH2 = CHUNKS // NC


@functools.cache
def _make_sc_agg_edge():
    mesh = plsc.VectorSubcoreMesh(
        core_axis_name="c", subcore_axis_name="s", num_cores=NC, num_subcores=NS)

    @functools.partial(
        pl.kernel,
        out_type=(jax.ShapeDtypeStruct((NP, C), jnp.float32),
                  jax.ShapeDtypeStruct((NP, C), jnp.float32)),
        mesh=mesh,
        scratch_types=(
            pltpu.VMEM((CH2, CH), jnp.int32),
            pltpu.VMEM((CH2, CH), jnp.int32),
            pltpu.VMEM((CH, C), jnp.float32),
            pltpu.VMEM((CH, C), jnp.float32),
            pltpu.VMEM_SHARED((NP, C), jnp.float32),
            pltpu.SemaphoreType.DMA,
            pltpu.SemaphoreType.DMA,
        ),
        compiler_params=pltpu.CompilerParams(use_tc_tiling_on_sc=False))
    def sc_agg_edge(tbl, srcix, dstix, zrow, o_a, o_b,
                    src_v, dst_v, r0, r1, acc, s0, s1):
        c = lax.axis_index("c")
        s = lax.axis_index("s")
        w = c * NS + s
        rows = pl.ds(s * RPT, RPT)
        pltpu.sync_copy(srcix.at[pl.ds(w * CH2, CH2)], src_v)
        pltpu.sync_copy(dstix.at[pl.ds(w * CH2, CH2)], dst_v)
        pltpu.sync_copy(zrow, acc.at[rows])
        plsc.subcore_barrier()

        pltpu.async_copy(tbl.at[src_v.at[0]], r0, s0)

        def body(i, carry):
            j0 = 2 * i
            pltpu.make_async_copy(tbl.at[src_v.at[j0]], r0, s0).wait()
            pltpu.async_copy(tbl.at[src_v.at[j0 + 1]], r1, s1)
            pltpu.sync_copy(r0, acc.at[dst_v.at[j0]], add=True)
            pltpu.make_async_copy(tbl.at[src_v.at[j0 + 1]], r1, s1).wait()

            @pl.when(i < CH2 // 2 - 1)
            def _():
                pltpu.async_copy(tbl.at[src_v.at[j0 + 2]], r0, s0)

            pltpu.sync_copy(r1, acc.at[dst_v.at[j0 + 1]], add=True)
            return carry

        lax.fori_loop(0, CH2 // 2, body, 0)
        plsc.subcore_barrier()

        @pl.when(c == 0)
        def _():
            pltpu.sync_copy(acc.at[rows], o_a.at[rows])

        @pl.when(c == 1)
        def _():
            pltpu.sync_copy(acc.at[rows], o_b.at[rows])

    return sc_agg_edge


def _sc_agg2(tbl, srcix, dstix, zrow):
    return _make_sc_agg_edge()(tbl, srcix, dstix, zrow)



def kernel(x, edge_index, W1_l, b1_l, W1_r, W2_l, b2_l, W2_r):
    x = x.astype(jnp.float32)
    src = edge_index[0].astype(jnp.int32)
    dst = edge_index[1].astype(jnp.int32)

    npad = EP - E
    pad_src = (lax.iota(jnp.int32, npad) * 37) % N
    pad_dst = N + lax.rem(lax.iota(jnp.int32, npad), NP - N)
    src_p = jnp.concatenate([src, pad_src])
    dst_p = jnp.concatenate([dst, pad_dst])

    src_ix = src_p.reshape(NS * CHUNKS, CH)
    dst_ix = dst_p.reshape(NS * CHUNKS, CH)

    b1_row = b1_l.reshape(1, H)
    b2_row = b2_l.reshape(1, C)

    ones_rows = jnp.concatenate(
        [jnp.ones((CH, 1), jnp.float32), jnp.zeros((CH, 15), jnp.float32)], axis=1)
    zrow1 = jnp.zeros((RPT, W1), jnp.float32)
    zcnt = jnp.zeros((RPT, 16), jnp.float32)
    zrow2 = jnp.zeros((RPT, C), jnp.float32)

    t1 = _tc1a(x, W1_l)
    a0, a1, a2, a3, cnt_a, cnt_b = _sc_agg1(
        t1, src_ix, dst_ix, zrow1, zcnt, ones_rows)
    r1 = _tc1b(x, W1_r, b1_row)

    t2_tbl = _tc2a((a0, a1, a2, a3), cnt_a, cnt_b, r1, W2_l)

    o0, o1 = _sc_agg2(t2_tbl, src_ix, dst_ix, zrow2)
    r2 = _tc2b((a0, a1, a2, a3), cnt_a, cnt_b, r1, W2_r, b2_row)

    return _tc3((o0, o1), cnt_a, cnt_b, r2)

# --- scband reference (transcript-rebuilt; emitter-appended) ---
"""Pipeline reference for scband-graph-sage-72447508349375 (READ-ONLY COPY).

The authoritative reference and input builder live on the scoring server;
editing this copy changes nothing except your own understanding.
"""

import jax, jax.numpy as jnp
import numpy as np

N_NODES = 10000
N_EDGES = 160000
D_FEAT = 256
HIDDEN = 256
N_CLASSES = 64


def setup_inputs(seed: int = 0) -> dict:
    key = jax.random.key(seed)
    ks = jax.random.split(key, 8)
    x = jax.random.normal(ks[0], (N_NODES, D_FEAT), dtype=jnp.float32)
    edge_index = jax.random.randint(ks[1], (2, N_EDGES), 0, N_NODES, dtype=jnp.int64)
    s1 = 1.0 / np.sqrt(D_FEAT)
    s2 = 1.0 / np.sqrt(HIDDEN)
    W1_l = jax.random.uniform(ks[2], (HIDDEN, D_FEAT), jnp.float32, -s1, s1)
    b1_l = jnp.zeros((HIDDEN,), jnp.float32)
    W1_r = jax.random.uniform(ks[3], (HIDDEN, D_FEAT), jnp.float32, -s1, s1)
    W2_l = jax.random.uniform(ks[4], (N_CLASSES, HIDDEN), jnp.float32, -s2, s2)
    b2_l = jnp.zeros((N_CLASSES,), jnp.float32)
    W2_r = jax.random.uniform(ks[5], (N_CLASSES, HIDDEN), jnp.float32, -s2, s2)
    return {"x": x, "edge_index": edge_index, "W1_l": W1_l, "b1_l": b1_l,
            "W1_r": W1_r, "W2_l": W2_l, "b2_l": b2_l, "W2_r": W2_r}


def _sage_conv(x, edge_index, W_l, b_l, W_r):
    # PyG SAGEConv with mean aggregation:
    # out = lin_l(mean_{j in N(i)} x_j) + lin_r(x_i)
    src = edge_index[0]
    dst = edge_index[1]
    msgs = jnp.take(x, src, axis=0)
    summed = jax.ops.segment_sum(msgs, dst, num_segments=x.shape[0])
    counts = jax.ops.segment_sum(jnp.ones((edge_index.shape[1],), x.dtype), dst,
                                 num_segments=x.shape[0])
    mean = summed / jnp.clip(counts, 1.0, None)[:, None]
    return mean @ W_l.T + b_l + x @ W_r.T


def reference(x, edge_index, W1_l, b1_l, W1_r, W2_l, b2_l, W2_r):
    h = _sage_conv(x, edge_index, W1_l, b1_l, W1_r)
    h = jax.nn.relu(h)
    out = _sage_conv(h, edge_index, W2_l, b2_l, W2_r)
    return out

if __name__ == "__main__":
    import jax
    _d = setup_inputs()
    print(jax.jit(kernel)(*tuple(_d.values())))

</pallas_src>

<mosaic_0001>
#map = affine_map<(d0, d1) -> (0, 0)>
module attributes {stable_mosaic.version = 14 : i64} {
  func.func @sc_agg_edge(%arg0: i32, %arg1: i32, %arg2: memref<10000x64xf32, #tpu.memory_space<hbm>>, %arg3: memref<1280x128xi32, #tpu.memory_space<hbm>>, %arg4: memref<1280x128xi32, #tpu.memory_space<hbm>>, %arg5: memref<640x64xf32, #tpu.memory_space<hbm>>, %arg6: memref<10240x64xf32, #tpu.memory_space<hbm>>, %arg7: memref<10240x64xf32, #tpu.memory_space<hbm>>, %arg8: memref<40x128xi32, #tpu.memory_space<vmem>>, %arg9: memref<40x128xi32, #tpu.memory_space<vmem>>, %arg10: memref<128x64xf32, #tpu.memory_space<vmem>>, %arg11: memref<128x64xf32, #tpu.memory_space<vmem>>, %arg12: memref<10240x64xf32, #tpu.memory_space<vmem_shared>>, %arg13: memref<!tpu.dma_semaphore, #tpu.memory_space<semaphore_mem>>, %arg14: memref<!tpu.dma_semaphore, #tpu.memory_space<semaphore_mem>>) attributes {dimension_semantics = [#tpu.dimension_semantics<core_parallel>, #tpu.dimension_semantics<subcore_parallel>], iteration_bounds = array<i64: 2, 16>, scalar_prefetch = 0 : i64, scratch_operands = 7 : i64, tpu.core_type = #tpu.core_type<sc_vector_subcore>, window_params = [{transform_indices = #map}, {transform_indices = #map}, {transform_indices = #map}, {transform_indices = #map}, {transform_indices = #map}, {transform_indices = #map}]} {
    %mul3A = arith.constant 16 : i32
    %mul3A_0 = arith.muli %arg0, %mul3A : i32
    %add3A = arith.addi %mul3A_0, %arg1 : i32
    %mul3A_1 = arith.constant 640 : i32
    %mul3A_2 = arith.muli %arg1, %mul3A_1 : i32
    %mul3A_3 = arith.constant 40 : i32
    %mul3A_4 = arith.muli %add3A, %mul3A_3 : i32
    "tpu.region"() ({
      %run_scoped3A = tpu.sem_alloc : memref<!tpu.dma_semaphore, #tpu.memory_space<semaphore_mem>>
      %dma_start3A_26 = arith.constant 0 : i32
      %dma_start3A_27 = tpu.memref_slice %arg3[%mul3A_4, %dma_start3A_26] : memref<1280x128xi32, #tpu.memory_space<hbm>> -> memref<40x128xi32, #tpu.memory_space<hbm>>
      %dma_start3A_28 = arith.constant 0 : i32
      %dma_start3A_29 = tpu.memref_slice %arg3[%mul3A_4, %dma_start3A_28] : memref<1280x128xi32, #tpu.memory_space<hbm>> -> memref<40x128xi32, #tpu.memory_space<hbm>>
      tpu.enqueue_dma source(%dma_start3A_29 : memref<40x128xi32, #tpu.memory_space<hbm>>) target(%arg8 : memref<40x128xi32, #tpu.memory_space<vmem>>) target_semaphore(%run_scoped3A : memref<!tpu.dma_semaphore, #tpu.memory_space<semaphore_mem>>)
      %dma_wait3A = arith.constant 0 : i32
      %dma_wait3A_30 = tpu.memref_slice %arg3[%mul3A_4, %dma_wait3A] : memref<1280x128xi32, #tpu.memory_space<hbm>> -> memref<40x128xi32, #tpu.memory_space<hbm>>
      %dma_wait3A_31 = arith.constant 0 : i32
      %dma_wait3A_32 = tpu.memref_slice %arg3[%mul3A_4, %dma_wait3A_31] : memref<1280x128xi32, #tpu.memory_space<hbm>> -> memref<40x128xi32, #tpu.memory_space<hbm>>
      tpu.wait_dma2 semaphore(%run_scoped3A : memref<!tpu.dma_semaphore, #tpu.memory_space<semaphore_mem>>) src(%dma_wait3A_32 : memref<40x128xi32, #tpu.memory_space<hbm>>) dst(%arg8 : memref<40x128xi32, #tpu.memory_space<vmem>>)
      tpu.yield
    }) : () -> ()
    %mul3A_5 = arith.constant 40 : i32
    %mul3A_6 = arith.muli %add3A, %mul3A_5 : i32
    "tpu.region"() ({
      %run_scoped3A = tpu.sem_alloc : memref<!tpu.dma_semaphore, #tpu.memory_space<semaphore_mem>>
      %dma_start3A_26 = arith.constant 0 : i32
      %dma_start3A_27 = tpu.memref_slice %arg4[%mul3A_6, %dma_start3A_26] : memref<1280x128xi32, #tpu.memory_space<hbm>> -> memref<40x128xi32, #tpu.memory_space<hbm>>
      %dma_start3A_28 = arith.constant 0 : i32
      %dma_start3A_29 = tpu.memref_slice %arg4[%mul3A_6, %dma_start3A_28] : memref<1280x128xi32, #tpu.memory_space<hbm>> -> memref<40x128xi32, #tpu.memory_space<hbm>>
      tpu.enqueue_dma source(%dma_start3A_29 : memref<40x128xi32, #tpu.memory_space<hbm>>) target(%arg9 : memref<40x128xi32, #tpu.memory_space<vmem>>) target_semaphore(%run_scoped3A : memref<!tpu.dma_semaphore, #tpu.memory_space<semaphore_mem>>)
      %dma_wait3A = arith.constant 0 : i32
      %dma_wait3A_30 = tpu.memref_slice %arg4[%mul3A_6, %dma_wait3A] : memref<1280x128xi32, #tpu.memory_space<hbm>> -> memref<40x128xi32, #tpu.memory_space<hbm>>
      %dma_wait3A_31 = arith.constant 0 : i32
      %dma_wait3A_32 = tpu.memref_slice %arg4[%mul3A_6, %dma_wait3A_31] : memref<1280x128xi32, #tpu.memory_space<hbm>> -> memref<40x128xi32, #tpu.memory_space<hbm>>
      tpu.wait_dma2 semaphore(%run_scoped3A : memref<!tpu.dma_semaphore, #tpu.memory_space<semaphore_mem>>) src(%dma_wait3A_32 : memref<40x128xi32, #tpu.memory_space<hbm>>) dst(%arg9 : memref<40x128xi32, #tpu.memory_space<vmem>>)
      tpu.yield
    }) : () -> ()
    "tpu.region"() ({
      %run_scoped3A = tpu.sem_alloc : memref<!tpu.dma_semaphore, #tpu.memory_space<semaphore_mem>>
      %dma_start3A_26 = arith.constant 0 : i32
      %dma_start3A_27 = tpu.memref_slice %arg12[%mul3A_2, %dma_start3A_26] : memref<10240x64xf32, #tpu.memory_space<vmem_shared>> -> memref<640x64xf32, #tpu.memory_space<vmem_shared>>
      tpu.enqueue_dma source(%arg5 : memref<640x64xf32, #tpu.memory_space<hbm>>) target(%dma_start3A_27 : memref<640x64xf32, #tpu.memory_space<vmem_shared>>) target_semaphore(%run_scoped3A : memref<!tpu.dma_semaphore, #tpu.memory_space<semaphore_mem>>)
      %dma_wait3A = arith.constant 0 : i32
      %dma_wait3A_28 = tpu.memref_slice %arg12[%mul3A_2, %dma_wait3A] : memref<10240x64xf32, #tpu.memory_space<vmem_shared>> -> memref<640x64xf32, #tpu.memory_space<vmem_shared>>
      tpu.wait_dma2 semaphore(%run_scoped3A : memref<!tpu.dma_semaphore, #tpu.memory_space<semaphore_mem>>) src(%arg5 : memref<640x64xf32, #tpu.memory_space<hbm>>) dst(%dma_wait3A_28 : memref<640x64xf32, #tpu.memory_space<vmem_shared>>)
      tpu.yield
    }) : () -> ()
    %barrier3A = arith.constant 0 : index
    tpu.barrier barrier_id(%barrier3A)
    %dma_start3A = arith.constant 0 : i32
    %dma_start3A_7 = arith.constant 0 : i32
    %dma_start3A_8 = tpu.memref_slice %arg8[%dma_start3A, %dma_start3A_7] : memref<40x128xi32, #tpu.memory_space<vmem>> -> memref<1x128xi32, #tpu.memory_space<vmem>>
    %dma_start3A_9 = tpu.memref_squeeze %dma_start3A_8 : memref<1x128xi32, #tpu.memory_space<vmem>> -> memref<128xi32, #tpu.memory_space<vmem>>
    %dma_start3A_10 = arith.constant 0 : i32
    %dma_start3A_11 = arith.constant 0 : i32
    %dma_start3A_12 = tpu.memref_slice %arg2[%dma_start3A_10, %dma_start3A_11] : memref<10000x64xf32, #tpu.memory_space<hbm>> -> memref<10000x64xf32, #tpu.memory_space<hbm>>
    tpu.enqueue_indirect_dma source(%dma_start3A_12 : memref<10000x64xf32, #tpu.memory_space<hbm>>) target(%arg10 : memref<128x64xf32, #tpu.memory_space<vmem>>) offsets(%dma_start3A_9 : memref<128xi32, #tpu.memory_space<vmem>>) semaphore(%arg13 : memref<!tpu.dma_semaphore, #tpu.memory_space<semaphore_mem>>)
    %scan3A = arith.constant 0 : i32
    %scan3A_13 = arith.constant 0 : i32
    %scan3A_14 = arith.constant 20 : i32
    %scan3A_15 = arith.addi %scan3A_13, %scan3A_14 : i32
    %scan3A_16 = arith.constant 1 : i32
    scf.for %scan3A_26 = %scan3A_13 to %scan3A_15 step %scan3A_16  : i32 {
      %mul3A_27 = arith.constant 2 : i32
      %mul3A_28 = arith.muli %mul3A_27, %scan3A_26 : i32
      %dma_wait3A = arith.constant 0 : i32
      %dma_wait3A_29 = tpu.memref_slice %arg8[%mul3A_28, %dma_wait3A] : memref<40x128xi32, #tpu.memory_space<vmem>> -> memref<1x128xi32, #tpu.memory_space<vmem>>
      %dma_wait3A_30 = tpu.memref_squeeze %dma_wait3A_29 : memref<1x128xi32, #tpu.memory_space<vmem>> -> memref<128xi32, #tpu.memory_space<vmem>>
      %dma_wait3A_31 = arith.constant 0 : i32
      %dma_wait3A_32 = arith.constant 0 : i32
      %dma_wait3A_33 = tpu.memref_slice %arg2[%dma_wait3A_31, %dma_wait3A_32] : memref<10000x64xf32, #tpu.memory_space<hbm>> -> memref<10000x64xf32, #tpu.memory_space<hbm>>
      tpu.wait_indirect_dma semaphore(%arg13 : memref<!tpu.dma_semaphore, #tpu.memory_space<semaphore_mem>>) src(%dma_wait3A_33 : memref<10000x64xf32, #tpu.memory_space<hbm>>) dst(%arg10 : memref<128x64xf32, #tpu.memory_space<vmem>>)
      %add3A_34 = arith.constant 1 : i32
      %add3A_35 = arith.addi %mul3A_28, %add3A_34 : i32
      %dma_start3A_36 = arith.constant 0 : i32
      %dma_start3A_37 = tpu.memref_slice %arg8[%add3A_35, %dma_start3A_36] : memref<40x128xi32, #tpu.memory_space<vmem>> -> memref<1x128xi32, #tpu.memory_space<vmem>>
      %dma_start3A_38 = tpu.memref_squeeze %dma_start3A_37 : memref<1x128xi32, #tpu.memory_space<vmem>> -> memref<128xi32, #tpu.memory_space<vmem>>
      %dma_start3A_39 = arith.constant 0 : i32
      %dma_start3A_40 = arith.constant 0 : i32
      %dma_start3A_41 = tpu.memref_slice %arg2[%dma_start3A_39, %dma_start3A_40] : memref<10000x64xf32, #tpu.memory_space<hbm>> -> memref<10000x64xf32, #tpu.memory_space<hbm>>
      tpu.enqueue_indirect_dma source(%dma_start3A_41 : memref<10000x64xf32, #tpu.memory_space<hbm>>) target(%arg11 : memref<128x64xf32, #tpu.memory_space<vmem>>) offsets(%dma_start3A_38 : memref<128xi32, #tpu.memory_space<vmem>>) semaphore(%arg14 : memref<!tpu.dma_semaphore, #tpu.memory_space<semaphore_mem>>)
      "tpu.region"() ({
        %run_scoped3A = tpu.sem_alloc : memref<!tpu.dma_semaphore, #tpu.memory_space<semaphore_mem>>
        %dma_start3A_56 = arith.constant 0 : i32
        %dma_start3A_57 = tpu.memref_slice %arg9[%mul3A_28, %dma_start3A_56] : memref<40x128xi32, #tpu.memory_space<vmem>> -> memref<1x128xi32, #tpu.memory_space<vmem>>
        %dma_start3A_58 = tpu.memref_squeeze %dma_start3A_57 : memref<1x128xi32, #tpu.memory_space<vmem>> -> memref<128xi32, #tpu.memory_space<vmem>>
        %dma_start3A_59 = arith.constant 0 : i32
        %dma_start3A_60 = arith.constant 0 : i32
        %dma_start3A_61 = tpu.memref_slice %arg12[%dma_start3A_59, %dma_start3A_60] : memref<10240x64xf32, #tpu.memory_space<vmem_shared>> -> memref<10240x64xf32, #tpu.memory_space<vmem_shared>>
        tpu.enqueue_indirect_dma source(%arg10 : memref<128x64xf32, #tpu.memory_space<vmem>>) target(%dma_start3A_61 : memref<10240x64xf32, #tpu.memory_space<vmem_shared>>) offsets(%dma_start3A_58 : memref<128xi32, #tpu.memory_space<vmem>>) semaphore(%run_scoped3A : memref<!tpu.dma_semaphore, #tpu.memory_space<semaphore_mem>>) {add = true}
        %dma_wait3A_62 = arith.constant 0 : i32
        %dma_wait3A_63 = tpu.memref_slice %arg9[%mul3A_28, %dma_wait3A_62] : memref<40x128xi32, #tpu.memory_space<vmem>> -> memref<1x128xi32, #tpu.memory_space<vmem>>
        %dma_wait3A_64 = tpu.memref_squeeze %dma_wait3A_63 : memref<1x128xi32, #tpu.memory_space<vmem>> -> memref<128xi32, #tpu.memory_space<vmem>>
        %dma_wait3A_65 = arith.constant 0 : i32
        %dma_wait3A_66 = arith.constant 0 : i32
        %dma_wait3A_67 = tpu.memref_slice %arg12[%dma_wait3A_65, %dma_wait3A_66] : memref<10240x64xf32, #tpu.memory_space<vmem_shared>> -> memref<10240x64xf32, #tpu.memory_space<vmem_shared>>
        tpu.wait_indirect_dma semaphore(%run_scoped3A : memref<!tpu.dma_semaphore, #tpu.memory_space<semaphore_mem>>) src(%arg10 : memref<128x64xf32, #tpu.memory_space<vmem>>) dst(%dma_wait3A_67 : memref<10240x64xf32, #tpu.memory_space<vmem_shared>>)
        tpu.yield
      }) : () -> ()
      %add3A_42 = arith.constant 1 : i32
      %add3A_43 = arith.addi %mul3A_28, %add3A_42 : i32
      %dma_wait3A_44 = arith.constant 0 : i32
      %dma_wait3A_45 = tpu.memref_slice %arg8[%add3A_43, %dma_wait3A_44] : memref<40x128xi32, #tpu.memory_space<vmem>> -> memref<1x128xi32, #tpu.memory_space<vmem>>
      %dma_wait3A_46 = tpu.memref_squeeze %dma_wait3A_45 : memref<1x128xi32, #tpu.memory_space<vmem>> -> memref<128xi32, #tpu.memory_space<vmem>>
      %dma_wait3A_47 = arith.constant 0 : i32
      %dma_wait3A_48 = arith.constant 0 : i32
      %dma_wait3A_49 = tpu.memref_slice %arg2[%dma_wait3A_47, %dma_wait3A_48] : memref<10000x64xf32, #tpu.memory_space<hbm>> -> memref<10000x64xf32, #tpu.memory_space<hbm>>
      tpu.wait_indirect_dma semaphore(%arg14 : memref<!tpu.dma_semaphore, #tpu.memory_space<semaphore_mem>>) src(%dma_wait3A_49 : memref<10000x64xf32, #tpu.memory_space<hbm>>) dst(%arg11 : memref<128x64xf32, #tpu.memory_space<vmem>>)
      %lt3A = arith.constant 19 : i32
      %lt3A_50 = arith.cmpi slt, %scan3A_26, %lt3A : i32
      %convert_element_type3A_51 = arith.extui %lt3A_50 : i1 to i32
      %cond3A_52 = arith.constant 0 : i32
      %cond3A_53 = arith.cmpi ne, %convert_element_type3A_51, %cond3A_52 : i32
      scf.if %cond3A_53 {
        %add3A_56 = arith.constant 2 : i32
        %add3A_57 = arith.addi %mul3A_28, %add3A_56 : i32
        %dma_start3A_58 = arith.constant 0 : i32
        %dma_start3A_59 = tpu.memref_slice %arg8[%add3A_57, %dma_start3A_58] : memref<40x128xi32, #tpu.memory_space<vmem>> -> memref<1x128xi32, #tpu.memory_space<vmem>>
        %dma_start3A_60 = tpu.memref_squeeze %dma_start3A_59 : memref<1x128xi32, #tpu.memory_space<vmem>> -> memref<128xi32, #tpu.memory_space<vmem>>
        %dma_start3A_61 = arith.constant 0 : i32
        %dma_start3A_62 = arith.constant 0 : i32
        %dma_start3A_63 = tpu.memref_slice %arg2[%dma_start3A_61, %dma_start3A_62] : memref<10000x64xf32, #tpu.memory_space<hbm>> -> memref<10000x64xf32, #tpu.memory_space<hbm>>
        tpu.enqueue_indirect_dma source(%dma_start3A_63 : memref<10000x64xf32, #tpu.memory_space<hbm>>) target(%arg10 : memref<128x64xf32, #tpu.memory_space<vmem>>) offsets(%dma_start3A_60 : memref<128xi32, #tpu.memory_space<vmem>>) semaphore(%arg13 : memref<!tpu.dma_semaphore, #tpu.memory_space<semaphore_mem>>)
      } else {
      }
      %add3A_54 = arith.constant 1 : i32
      %add3A_55 = arith.addi %mul3A_28, %add3A_54 : i32
      "tpu.region"() ({
        %run_scoped3A = tpu.sem_alloc : memref<!tpu.dma_semaphore, #tpu.memory_space<semaphore_mem>>
        %dma_start3A_56 = arith.constant 0 : i32
        %dma_start3A_57 = tpu.memref_slice %arg9[%add3A_55, %dma_start3A_56] : memref<40x128xi32, #tpu.memory_space<vmem>> -> memref<1x128xi32, #tpu.memory_space<vmem>>
        %dma_start3A_58 = tpu.memref_squeeze %dma_start3A_57 : memref<1x128xi32, #tpu.memory_space<vmem>> -> memref<128xi32, #tpu.memory_space<vmem>>
        %dma_start3A_59 = arith.constant 0 : i32
        %dma_start3A_60 = arith.constant 0 : i32
        %dma_start3A_61 = tpu.memref_slice %arg12[%dma_start3A_59, %dma_start3A_60] : memref<10240x64xf32, #tpu.memory_space<vmem_shared>> -> memref<10240x64xf32, #tpu.memory_space<vmem_shared>>
        tpu.enqueue_indirect_dma source(%arg11 : memref<128x64xf32, #tpu.memory_space<vmem>>) target(%dma_start3A_61 : memref<10240x64xf32, #tpu.memory_space<vmem_shared>>) offsets(%dma_start3A_58 : memref<128xi32, #tpu.memory_space<vmem>>) semaphore(%run_scoped3A : memref<!tpu.dma_semaphore, #tpu.memory_space<semaphore_mem>>) {add = true}
        %dma_wait3A_62 = arith.constant 0 : i32
        %dma_wait3A_63 = tpu.memref_slice %arg9[%add3A_55, %dma_wait3A_62] : memref<40x128xi32, #tpu.memory_space<vmem>> -> memref<1x128xi32, #tpu.memory_space<vmem>>
        %dma_wait3A_64 = tpu.memref_squeeze %dma_wait3A_63 : memref<1x128xi32, #tpu.memory_space<vmem>> -> memref<128xi32, #tpu.memory_space<vmem>>
        %dma_wait3A_65 = arith.constant 0 : i32
        %dma_wait3A_66 = arith.constant 0 : i32
        %dma_wait3A_67 = tpu.memref_slice %arg12[%dma_wait3A_65, %dma_wait3A_66] : memref<10240x64xf32, #tpu.memory_space<vmem_shared>> -> memref<10240x64xf32, #tpu.memory_space<vmem_shared>>
        tpu.wait_indirect_dma semaphore(%run_scoped3A : memref<!tpu.dma_semaphore, #tpu.memory_space<semaphore_mem>>) src(%arg11 : memref<128x64xf32, #tpu.memory_space<vmem>>) dst(%dma_wait3A_67 : memref<10240x64xf32, #tpu.memory_space<vmem_shared>>)
        tpu.yield
      }) : () -> ()
    }
    %scan3A_17 = arith.constant 20 : i32
    %barrier3A_18 = arith.constant 0 : index
    tpu.barrier barrier_id(%barrier3A_18)
    %eq3A = arith.constant 0 : i32
    %eq3A_19 = arith.cmpi eq, %arg0, %eq3A : i32
    %convert_element_type3A = arith.extui %eq3A_19 : i1 to i32
    %cond3A = arith.constant 0 : i32
    %cond3A_20 = arith.cmpi ne, %convert_element_type3A, %cond3A : i32
    scf.if %cond3A_20 {
      "tpu.region"() ({
        %run_scoped3A = tpu.sem_alloc : memref<!tpu.dma_semaphore, #tpu.memory_space<semaphore_mem>>
        %dma_start3A_26 = arith.constant 0 : i32
        %dma_start3A_27 = tpu.memref_slice %arg6[%mul3A_2, %dma_start3A_26] : memref<10240x64xf32, #tpu.memory_space<hbm>> -> memref<640x64xf32, #tpu.memory_space<hbm>>
        %dma_start3A_28 = arith.constant 0 : i32
        %dma_start3A_29 = tpu.memref_slice %arg12[%mul3A_2, %dma_start3A_28] : memref<10240x64xf32, #tpu.memory_space<vmem_shared>> -> memref<640x64xf32, #tpu.memory_space<vmem_shared>>
        tpu.enqueue_dma source(%dma_start3A_29 : memref<640x64xf32, #tpu.memory_space<vmem_shared>>) target(%dma_start3A_27 : memref<640x64xf32, #tpu.memory_space<hbm>>) target_semaphore(%run_scoped3A : memref<!tpu.dma_semaphore, #tpu.memory_space<semaphore_mem>>)
        %dma_wait3A = arith.constant 0 : i32
        %dma_wait3A_30 = tpu.memref_slice %arg6[%mul3A_2, %dma_wait3A] : memref<10240x64xf32, #tpu.memory_space<hbm>> -> memref<640x64xf32, #tpu.memory_space<hbm>>
        %dma_wait3A_31 = arith.constant 0 : i32
        %dma_wait3A_32 = tpu.memref_slice %arg12[%mul3A_2, %dma_wait3A_31] : memref<10240x64xf32, #tpu.memory_space<vmem_shared>> -> memref<640x64xf32, #tpu.memory_space<vmem_shared>>
        tpu.wait_dma2 semaphore(%run_scoped3A : memref<!tpu.dma_semaphore, #tpu.memory_space<semaphore_mem>>) src(%dma_wait3A_32 : memref<640x64xf32, #tpu.memory_space<vmem_shared>>) dst(%dma_wait3A_30 : memref<640x64xf32, #tpu.memory_space<hbm>>)
        tpu.yield
      }) : () -> ()
    } else {
    }
    %eq3A_21 = arith.constant 1 : i32
    %eq3A_22 = arith.cmpi eq, %arg0, %eq3A_21 : i32
    %convert_element_type3A_23 = arith.extui %eq3A_22 : i1 to i32
    %cond3A_24 = arith.constant 0 : i32
    %cond3A_25 = arith.cmpi ne, %convert_element_type3A_23, %cond3A_24 : i32
    scf.if %cond3A_25 {
      "tpu.region"() ({
        %run_scoped3A = tpu.sem_alloc : memref<!tpu.dma_semaphore, #tpu.memory_space<semaphore_mem>>
        %dma_start3A_26 = arith.constant 0 : i32
        %dma_start3A_27 = tpu.memref_slice %arg7[%mul3A_2, %dma_start3A_26] : memref<10240x64xf32, #tpu.memory_space<hbm>> -> memref<640x64xf32, #tpu.memory_space<hbm>>
        %dma_start3A_28 = arith.constant 0 : i32
        %dma_start3A_29 = tpu.memref_slice %arg12[%mul3A_2, %dma_start3A_28] : memref<10240x64xf32, #tpu.memory_space<vmem_shared>> -> memref<640x64xf32, #tpu.memory_space<vmem_shared>>
        tpu.enqueue_dma source(%dma_start3A_29 : memref<640x64xf32, #tpu.memory_space<vmem_shared>>) target(%dma_start3A_27 : memref<640x64xf32, #tpu.memory_space<hbm>>) target_semaphore(%run_scoped3A : memref<!tpu.dma_semaphore, #tpu.memory_space<semaphore_mem>>)
        %dma_wait3A = arith.constant 0 : i32
        %dma_wait3A_30 = tpu.memref_slice %arg7[%mul3A_2, %dma_wait3A] : memref<10240x64xf32, #tpu.memory_space<hbm>> -> memref<640x64xf32, #tpu.memory_space<hbm>>
        %dma_wait3A_31 = arith.constant 0 : i32
        %dma_wait3A_32 = tpu.memref_slice %arg12[%mul3A_2, %dma_wait3A_31] : memref<10240x64xf32, #tpu.memory_space<vmem_shared>> -> memref<640x64xf32, #tpu.memory_space<vmem_shared>>
        tpu.wait_dma2 semaphore(%run_scoped3A : memref<!tpu.dma_semaphore, #tpu.memory_space<semaphore_mem>>) src(%dma_wait3A_32 : memref<640x64xf32, #tpu.memory_space<vmem_shared>>) dst(%dma_wait3A_30 : memref<640x64xf32, #tpu.memory_space<hbm>>)
        tpu.yield
      }) : () -> ()
    } else {
    }
    return
  }
}

#map = affine_map<(d0, d1) -> (0, 0)>
module attributes {stable_mosaic.version = 14 : i64} {
  func.func @sc_agg(%arg0: i32, %arg1: i32, %arg2: memref<10000x64xf32, #tpu.memory_space<hbm>>, %arg3: memref<10000x64xf32, #tpu.memory_space<hbm>>, %arg4: memref<10000x64xf32, #tpu.memory_space<hbm>>, %arg5: memref<10000x64xf32, #tpu.memory_space<hbm>>, %arg6: memref<1280x128xi32, #tpu.memory_space<hbm>>, %arg7: memref<1280x128xi32, #tpu.memory_space<hbm>>, %arg8: memref<640x64xf32, #tpu.memory_space<hbm>>, %arg9: memref<640x16xf32, #tpu.memory_space<hbm>>, %arg10: memref<128x16xf32, #tpu.memory_space<hbm>>, %arg11: memref<10240x64xf32, #tpu.memory_space<hbm>>, %arg12: memref<10240x64xf32, #tpu.memory_space<hbm>>, %arg13: memref<10240x64xf32, #tpu.memory_space<hbm>>, %arg14: memref<10240x64xf32, #tpu.memory_space<hbm>>, %arg15: memref<10240x16xf32, #tpu.memory_space<hbm>>, %arg16: memref<10240x16xf32, #tpu.memory_space<hbm>>, %arg17: memref<80x128xi32, #tpu.memory_space<vmem>>, %arg18: memref<80x128xi32, #tpu.memory_space<vmem>>, %arg19: memref<128x64xf32, #tpu.memory_space<vmem>>, %arg20: memref<128x64xf32, #tpu.memory_space<vmem>>, %arg21: memref<10240x64xf32, #tpu.memory_space<vmem_shared>>, %arg22: memref<!tpu.dma_semaphore, #tpu.memory_space<semaphore_mem>>, %arg23: memref<!tpu.dma_semaphore, #tpu.memory_space<semaphore_mem>>, %arg24: memref<128x16xf32, #tpu.memory_space<vmem>>, %arg25: memref<10240x16xf32, #tpu.memory_space<vmem_shared>>) attributes {dimension_semantics = [#tpu.dimension_semantics<core_parallel>, #tpu.dimension_semantics<subcore_parallel>], iteration_bounds = array<i64: 2, 16>, scalar_prefetch = 0 : i64, scratch_operands = 9 : i64, tpu.core_type = #tpu.core_type<sc_vector_subcore>, window_params = [{transform_indices = #map}, {transform_indices = #map}, {transform_indices = #map}, {transform_indices = #map}, {transform_indices = #map}, {transform_indices = #map}, {transform_indices = #map}, {transform_indices = #map}, {transform_indices = #map}, {transform_indices = #map}, {transform_indices = #map}, {transform_indices = #map}, {transform_indices = #map}, {transform_indices = #map}, {transform_indices = #map}]} {
    %mul3A = arith.constant 640 : i32
    %mul3A_0 = arith.muli %arg1, %mul3A : i32
    %mul3A_1 = arith.constant 80 : i32
    %mul3A_2 = arith.muli %arg1, %mul3A_1 : i32
    "tpu.region"() ({
      %run_scoped3A = tpu.sem_alloc : memref<!tpu.dma_semaphore, #tpu.memory_space<semaphore_mem>>
      %dma_start3A = arith.constant 0 : i32
      %dma_start3A_55 = tpu.memref_slice %arg6[%mul3A_2, %dma_start3A] : memref<1280x128xi32, #tpu.memory_space<hbm>> -> memref<80x128xi32, #tpu.memory_space<hbm>>
      %dma_start3A_56 = arith.constant 0 : i32
      %dma_start3A_57 = tpu.memref_slice %arg6[%mul3A_2, %dma_start3A_56] : memref<1280x128xi32, #tpu.memory_space<hbm>> -> memref<80x128xi32, #tpu.memory_space<hbm>>
      tpu.enqueue_dma source(%dma_start3A_57 : memref<80x128xi32, #tpu.memory_space<hbm>>) target(%arg17 : memref<80x128xi32, #tpu.memory_space<vmem>>) target_semaphore(%run_scoped3A : memref<!tpu.dma_semaphore, #tpu.memory_space<semaphore_mem>>)
      %dma_wait3A = arith.constant 0 : i32
      %dma_wait3A_58 = tpu.memref_slice %arg6[%mul3A_2, %dma_wait3A] : memref<1280x128xi32, #tpu.memory_space<hbm>> -> memref<80x128xi32, #tpu.memory_space<hbm>>
      %dma_wait3A_59 = arith.constant 0 : i32
      %dma_wait3A_60 = tpu.memref_slice %arg6[%mul3A_2, %dma_wait3A_59] : memref<1280x128xi32, #tpu.memory_space<hbm>> -> memref<80x128xi32, #tpu.memory_space<hbm>>
      tpu.wait_dma2 semaphore(%run_scoped3A : memref<!tpu.dma_semaphore, #tpu.memory_space<semaphore_mem>>) src(%dma_wait3A_60 : memref<80x128xi32, #tpu.memory_space<hbm>>) dst(%arg17 : memref<80x128xi32, #tpu.memory_space<vmem>>)
      tpu.yield
    }) : () -> ()
    %mul3A_3 = arith.constant 80 : i32
    %mul3A_4 = arith.muli %arg1, %mul3A_3 : i32
    "tpu.region"() ({
      %run_scoped3A = tpu.sem_alloc : memref<!tpu.dma_semaphore, #tpu.memory_space<semaphore_mem>>
      %dma_start3A = arith.constant 0 : i32
      %dma_start3A_55 = tpu.memref_slice %arg7[%mul3A_4, %dma_start3A] : memref<1280x128xi32, #tpu.memory_space<hbm>> -> memref<80x128xi32, #tpu.memory_space<hbm>>
      %dma_start3A_56 = arith.constant 0 : i32
      %dma_start3A_57 = tpu.memref_slice %arg7[%mul3A_4, %dma_start3A_56] : memref<1280x128xi32, #tpu.memory_space<hbm>> -> memref<80x128xi32, #tpu.memory_space<hbm>>
      tpu.enqueue_dma source(%dma_start3A_57 : memref<80x128xi32, #tpu.memory_space<hbm>>) target(%arg18 : memref<80x128xi32, #tpu.memory_space<vmem>>) target_semaphore(%run_scoped3A : memref<!tpu.dma_semaphore, #tpu.memory_space<semaphore_mem>>)
      %dma_wait3A = arith.constant 0 : i32
      %dma_wait3A_58 = tpu.memref_slice %arg7[%mul3A_4, %dma_wait3A] : memref<1280x128xi32, #tpu.memory_space<hbm>> -> memref<80x128xi32, #tpu.memory_space<hbm>>
      %dma_wait3A_59 = arith.constant 0 : i32
      %dma_wait3A_60 = tpu.memref_slice %arg7[%mul3A_4, %dma_wait3A_59] : memref<1280x128xi32, #tpu.memory_space<hbm>> -> memref<80x128xi32, #tpu.memory_space<hbm>>
      tpu.wait_dma2 semaphore(%run_scoped3A : memref<!tpu.dma_semaphore, #tpu.memory_space<semaphore_mem>>) src(%dma_wait3A_60 : memref<80x128xi32, #tpu.memory_space<hbm>>) dst(%arg18 : memref<80x128xi32, #tpu.memory_space<vmem>>)
      tpu.yield
    }) : () -> ()
    "tpu.region"() ({
      %run_scoped3A = tpu.sem_alloc : memref<!tpu.dma_semaphore, #tpu.memory_space<semaphore_mem>>
      tpu.enqueue_dma source(%arg10 : memref<128x16xf32, #tpu.memory_space<hbm>>) target(%arg24 : memref<128x16xf32, #tpu.memory_space<vmem>>) target_semaphore(%run_scoped3A : memref<!tpu.dma_semaphore, #tpu.memory_space<semaphore_mem>>)
      tpu.wait_dma2 semaphore(%run_scoped3A : memref<!tpu.dma_semaphore, #tpu.memory_space<semaphore_mem>>) src(%arg10 : memref<128x16xf32, #tpu.memory_space<hbm>>) dst(%arg24 : memref<128x16xf32, #tpu.memory_space<vmem>>)
      tpu.yield
    }) : () -> ()
    "tpu.region"() ({
      %run_scoped3A = tpu.sem_alloc : memref<!tpu.dma_semaphore, #tpu.memory_space<semaphore_mem>>
      %dma_start3A = arith.constant 0 : i32
      %dma_start3A_55 = tpu.memref_slice %arg25[%mul3A_0, %dma_start3A] : memref<10240x16xf32, #tpu.memory_space<vmem_shared>> -> memref<640x16xf32, #tpu.memory_space<vmem_shared>>
      tpu.enqueue_dma source(%arg9 : memref<640x16xf32, #tpu.memory_space<hbm>>) target(%dma_start3A_55 : memref<640x16xf32, #tpu.memory_space<vmem_shared>>) target_semaphore(%run_scoped3A : memref<!tpu.dma_semaphore, #tpu.memory_space<semaphore_mem>>)
      %dma_wait3A = arith.constant 0 : i32
      %dma_wait3A_56 = tpu.memref_slice %arg25[%mul3A_0, %dma_wait3A] : memref<10240x16xf32, #tpu.memory_space<vmem_shared>> -> memref<640x16xf32, #tpu.memory_space<vmem_shared>>
      tpu.wait_dma2 semaphore(%run_scoped3A : memref<!tpu.dma_semaphore, #tpu.memory_space<semaphore_mem>>) src(%arg9 : memref<640x16xf32, #tpu.memory_space<hbm>>) dst(%dma_wait3A_56 : memref<640x16xf32, #tpu.memory_space<vmem_shared>>)
      tpu.yield
    }) : () -> ()
    "tpu.region"() ({
      %run_scoped3A = tpu.sem_alloc : memref<!tpu.dma_semaphore, #tpu.memory_space<semaphore_mem>>
      %dma_start3A = arith.constant 0 : i32
      %dma_start3A_55 = tpu.memref_slice %arg21[%mul3A_0, %dma_start3A] : memref<10240x64xf32, #tpu.memory_space<vmem_shared>> -> memref<640x64xf32, #tpu.memory_space<vmem_shared>>
      tpu.enqueue_dma source(%arg8 : memref<640x64xf32, #tpu.memory_space<hbm>>) target(%dma_start3A_55 : memref<640x64xf32, #tpu.memory_space<vmem_shared>>) target_semaphore(%run_scoped3A : memref<!tpu.dma_semaphore, #tpu.memory_space<semaphore_mem>>)
      %dma_wait3A = arith.constant 0 : i32
      %dma_wait3A_56 = tpu.memref_slice %arg21[%mul3A_0, %dma_wait3A] : memref<10240x64xf32, #tpu.memory_space<vmem_shared>> -> memref<640x64xf32, #tpu.memory_space<vmem_shared>>
      tpu.wait_dma2 semaphore(%run_scoped3A : memref<!tpu.dma_semaphore, #tpu.memory_space<semaphore_mem>>) src(%arg8 : memref<640x64xf32, #tpu.memory_space<hbm>>) dst(%dma_wait3A_56 : memref<640x64xf32, #tpu.memory_space<vmem_shared>>)
      tpu.yield
    }) : () -> ()
    %barrier3A = arith.constant 0 : index
    tpu.barrier barrier_id(%barrier3A)
    %eq3A = arith.constant 0 : i32
    %eq3A_5 = arith.cmpi eq, %arg0, %eq3A : i32
    %convert_element_type3A = arith.extui %eq3A_5 : i1 to i32
    %cond3A = arith.constant 0 : i32
    %cond3A_6 = arith.cmpi ne, %convert_element_type3A, %cond3A : i32
    scf.if %cond3A_6 {
      %dma_start3A = arith.constant 0 : i32
      %dma_start3A_55 = arith.constant 0 : i32
      %dma_start3A_56 = tpu.memref_slice %arg17[%dma_start3A, %dma_start3A_55] : memref<80x128xi32, #tpu.memory_space<vmem>> -> memref<1x128xi32, #tpu.memory_space<vmem>>
      %dma_start3A_57 = tpu.memref_squeeze %dma_start3A_56 : memref<1x128xi32, #tpu.memory_space<vmem>> -> memref<128xi32, #tpu.memory_space<vmem>>
      %dma_start3A_58 = arith.constant 0 : i32
      %dma_start3A_59 = arith.constant 0 : i32
      %dma_start3A_60 = tpu.memref_slice %arg2[%dma_start3A_58, %dma_start3A_59] : memref<10000x64xf32, #tpu.memory_space<hbm>> -> memref<10000x64xf32, #tpu.memory_space<hbm>>
      tpu.enqueue_indirect_dma source(%dma_start3A_60 : memref<10000x64xf32, #tpu.memory_space<hbm>>) target(%arg19 : memref<128x64xf32, #tpu.memory_space<vmem>>) offsets(%dma_start3A_57 : memref<128xi32, #tpu.memory_space<vmem>>) semaphore(%arg22 : memref<!tpu.dma_semaphore, #tpu.memory_space<semaphore_mem>>)
      %scan3A = arith.constant 0 : i32
      %scan3A_61 = arith.constant 0 : i32
      %scan3A_62 = arith.constant 40 : i32
      %scan3A_63 = arith.addi %scan3A_61, %scan3A_62 : i32
      %scan3A_64 = arith.constant 1 : i32
      scf.for %scan3A_66 = %scan3A_61 to %scan3A_63 step %scan3A_64  : i32 {
        %mul3A_67 = arith.constant 2 : i32
        %mul3A_68 = arith.muli %mul3A_67, %scan3A_66 : i32
        %dma_wait3A = arith.constant 0 : i32
        %dma_wait3A_69 = tpu.memref_slice %arg17[%mul3A_68, %dma_wait3A] : memref<80x128xi32, #tpu.memory_space<vmem>> -> memref<1x128xi32, #tpu.memory_space<vmem>>
        %dma_wait3A_70 = tpu.memref_squeeze %dma_wait3A_69 : memref<1x128xi32, #tpu.memory_space<vmem>> -> memref<128xi32, #tpu.memory_space<vmem>>
        %dma_wait3A_71 = arith.constant 0 : i32
        %dma_wait3A_72 = arith.constant 0 : i32
        %dma_wait3A_73 = tpu.memref_slice %arg2[%dma_wait3A_71, %dma_wait3A_72] : memref<10000x64xf32, #tpu.memory_space<hbm>> -> memref<10000x64xf32, #tpu.memory_space<hbm>>
        tpu.wait_indirect_dma semaphore(%arg22 : memref<!tpu.dma_semaphore, #tpu.memory_space<semaphore_mem>>) src(%dma_wait3A_73 : memref<10000x64xf32, #tpu.memory_space<hbm>>) dst(%arg19 : memref<128x64xf32, #tpu.memory_space<vmem>>)
        %add3A = arith.constant 1 : i32
        %add3A_74 = arith.addi %mul3A_68, %add3A : i32
        %dma_start3A_75 = arith.constant 0 : i32
        %dma_start3A_76 = tpu.memref_slice %arg17[%add3A_74, %dma_start3A_75] : memref<80x128xi32, #tpu.memory_space<vmem>> -> memref<1x128xi32, #tpu.memory_space<vmem>>
        %dma_start3A_77 = tpu.memref_squeeze %dma_start3A_76 : memref<1x128xi32, #tpu.memory_space<vmem>> -> memref<128xi32, #tpu.memory_space<vmem>>
        %dma_start3A_78 = arith.constant 0 : i32
        %dma_start3A_79 = arith.constant 0 : i32
        %dma_start3A_80 = tpu.memref_slice %arg2[%dma_start3A_78, %dma_start3A_79] : memref<10000x64xf32, #tpu.memory_space<hbm>> -> memref<10000x64xf32, #tpu.memory_space<hbm>>
        tpu.enqueue_indirect_dma source(%dma_start3A_80 : memref<10000x64xf32, #tpu.memory_space<hbm>>) target(%arg20 : memref<128x64xf32, #tpu.memory_space<vmem>>) offsets(%dma_start3A_77 : memref<128xi32, #tpu.memory_space<vmem>>) semaphore(%arg23 : memref<!tpu.dma_semaphore, #tpu.memory_space<semaphore_mem>>)
        "tpu.region"() ({
          %run_scoped3A = tpu.sem_alloc : memref<!tpu.dma_semaphore, #tpu.memory_space<semaphore_mem>>
          %dma_start3A_95 = arith.constant 0 : i32
          %dma_start3A_96 = tpu.memref_slice %arg18[%mul3A_68, %dma_start3A_95] : memref<80x128xi32, #tpu.memory_space<vmem>> -> memref<1x128xi32, #tpu.memory_space<vmem>>
          %dma_start3A_97 = tpu.memref_squeeze %dma_start3A_96 : memref<1x128xi32, #tpu.memory_space<vmem>> -> memref<128xi32, #tpu.memory_space<vmem>>
          %dma_start3A_98 = arith.constant 0 : i32
          %dma_start3A_99 = arith.constant 0 : i32
          %dma_start3A_100 = tpu.memref_slice %arg21[%dma_start3A_98, %dma_start3A_99] : memref<10240x64xf32, #tpu.memory_space<vmem_shared>> -> memref<10240x64xf32, #tpu.memory_space<vmem_shared>>
          tpu.enqueue_indirect_dma source(%arg19 : memref<128x64xf32, #tpu.memory_space<vmem>>) target(%dma_start3A_100 : memref<10240x64xf32, #tpu.memory_space<vmem_shared>>) offsets(%dma_start3A_97 : memref<128xi32, #tpu.memory_space<vmem>>) semaphore(%run_scoped3A : memref<!tpu.dma_semaphore, #tpu.memory_space<semaphore_mem>>) {add = true}
          %dma_wait3A_101 = arith.constant 0 : i32
          %dma_wait3A_102 = tpu.memref_slice %arg18[%mul3A_68, %dma_wait3A_101] : memref<80x128xi32, #tpu.memory_space<vmem>> -> memref<1x128xi32, #tpu.memory_space<vmem>>
          %dma_wait3A_103 = tpu.memref_squeeze %dma_wait3A_102 : memref<1x128xi32, #tpu.memory_space<vmem>> -> memref<128xi32, #tpu.memory_space<vmem>>
          %dma_wait3A_104 = arith.constant 0 : i32
          %dma_wait3A_105 = arith.constant 0 : i32
          %dma_wait3A_106 = tpu.memref_slice %arg21[%dma_wait3A_104, %dma_wait3A_105] : memref<10240x64xf32, #tpu.memory_space<vmem_shared>> -> memref<10240x64xf32, #tpu.memory_space<vmem_shared>>
          tpu.wait_indirect_dma semaphore(%run_scoped3A : memref<!tpu.dma_semaphore, #tpu.memory_space<semaphore_mem>>) src(%arg19 : memref<128x64xf32, #tpu.memory_space<vmem>>) dst(%dma_wait3A_106 : memref<10240x64xf32, #tpu.memory_space<vmem_shared>>)
          tpu.yield
        }) : () -> ()
        "tpu.region"() ({
          %run_scoped3A = tpu.sem_alloc : memref<!tpu.dma_semaphore, #tpu.memory_space<semaphore_mem>>
          %dma_start3A_95 = arith.constant 0 : i32
          %dma_start3A_96 = tpu.memref_slice %arg18[%mul3A_68, %dma_start3A_95] : memref<80x128xi32, #tpu.memory_space<vmem>> -> memref<1x128xi32, #tpu.memory_space<vmem>>
          %dma_start3A_97 = tpu.memref_squeeze %dma_start3A_96 : memref<1x128xi32, #tpu.memory_space<vmem>> -> memref<128xi32, #tpu.memory_space<vmem>>
          %dma_start3A_98 = arith.constant 0 : i32
          %dma_start3A_99 = arith.constant 0 : i32
          %dma_start3A_100 = tpu.memref_slice %arg25[%dma_start3A_98, %dma_start3A_99] : memref<10240x16xf32, #tpu.memory_space<vmem_shared>> -> memref<10240x16xf32, #tpu.memory_space<vmem_shared>>
          tpu.enqueue_indirect_dma source(%arg24 : memref<128x16xf32, #tpu.memory_space<vmem>>) target(%dma_start3A_100 : memref<10240x16xf32, #tpu.memory_space<vmem_shared>>) offsets(%dma_start3A_97 : memref<128xi32, #tpu.memory_space<vmem>>) semaphore(%run_scoped3A : memref<!tpu.dma_semaphore, #tpu.memory_space<semaphore_mem>>) {add = true}
          %dma_wait3A_101 = arith.constant 0 : i32
          %dma_wait3A_102 = tpu.memref_slice %arg18[%mul3A_68, %dma_wait3A_101] : memref<80x128xi32, #tpu.memory_space<vmem>> -> memref<1x128xi32, #tpu.memory_space<vmem>>
          %dma_wait3A_103 = tpu.memref_squeeze %dma_wait3A_102 : memref<1x128xi32, #tpu.memory_space<vmem>> -> memref<128xi32, #tpu.memory_space<vmem>>
          %dma_wait3A_104 = arith.constant 0 : i32
          %dma_wait3A_105 = arith.constant 0 : i32
          %dma_wait3A_106 = tpu.memref_slice %arg25[%dma_wait3A_104, %dma_wait3A_105] : memref<10240x16xf32, #tpu.memory_space<vmem_shared>> -> memref<10240x16xf32, #tpu.memory_space<vmem_shared>>
          tpu.wait_indirect_dma semaphore(%run_scoped3A : memref<!tpu.dma_semaphore, #tpu.memory_space<semaphore_mem>>) src(%arg24 : memref<128x16xf32, #tpu.memory_space<vmem>>) dst(%dma_wait3A_106 : memref<10240x16xf32, #tpu.memory_space<vmem_shared>>)
          tpu.yield
        }) : () -> ()
        %add3A_81 = arith.constant 1 : i32
        %add3A_82 = arith.addi %mul3A_68, %add3A_81 : i32
        %dma_wait3A_83 = arith.constant 0 : i32
        %dma_wait3A_84 = tpu.memref_slice %arg17[%add3A_82, %dma_wait3A_83] : memref<80x128xi32, #tpu.memory_space<vmem>> -> memref<1x128xi32, #tpu.memory_space<vmem>>
        %dma_wait3A_85 = tpu.memref_squeeze %dma_wait3A_84 : memref<1x128xi32, #tpu.memory_space<vmem>> -> memref<128xi32, #tpu.memory_space<vmem>>
        %dma_wait3A_86 = arith.constant 0 : i32
        %dma_wait3A_87 = arith.constant 0 : i32
        %dma_wait3A_88 = tpu.memref_slice %arg2[%dma_wait3A_86, %dma_wait3A_87] : memref<10000x64xf32, #tpu.memory_space<hbm>> -> memref<10000x64xf32, #tpu.memory_space<hbm>>
        tpu.wait_indirect_dma semaphore(%arg23 : memref<!tpu.dma_semaphore, #tpu.memory_space<semaphore_mem>>) src(%dma_wait3A_88 : memref<10000x64xf32, #tpu.memory_space<hbm>>) dst(%arg20 : memref<128x64xf32, #tpu.memory_space<vmem>>)
        %lt3A = arith.constant 39 : i32
        %lt3A_89 = arith.cmpi slt, %scan3A_66, %lt3A : i32
        %convert_element_type3A_90 = arith.extui %lt3A_89 : i1 to i32
        %cond3A_91 = arith.constant 0 : i32
        %cond3A_92 = arith.cmpi ne, %convert_element_type3A_90, %cond3A_91 : i32
        scf.if %cond3A_92 {
          %add3A_95 = arith.constant 2 : i32
          %add3A_96 = arith.addi %mul3A_68, %add3A_95 : i32
          %dma_start3A_97 = arith.constant 0 : i32
          %dma_start3A_98 = tpu.memref_slice %arg17[%add3A_96, %dma_start3A_97] : memref<80x128xi32, #tpu.memory_space<vmem>> -> memref<1x128xi32, #tpu.memory_space<vmem>>
          %dma_start3A_99 = tpu.memref_squeeze %dma_start3A_98 : memref<1x128xi32, #tpu.memory_space<vmem>> -> memref<128xi32, #tpu.memory_space<vmem>>
          %dma_start3A_100 = arith.constant 0 : i32
          %dma_start3A_101 = arith.constant 0 : i32
          %dma_start3A_102 = tpu.memref_slice %arg2[%dma_start3A_100, %dma_start3A_101] : memref<10000x64xf32, #tpu.memory_space<hbm>> -> memref<10000x64xf32, #tpu.memory_space<hbm>>
          tpu.enqueue_indirect_dma source(%dma_start3A_102 : memref<10000x64xf32, #tpu.memory_space<hbm>>) target(%arg19 : memref<128x64xf32, #tpu.memory_space<vmem>>) offsets(%dma_start3A_99 : memref<128xi32, #tpu.memory_space<vmem>>) semaphore(%arg22 : memref<!tpu.dma_semaphore, #tpu.memory_space<semaphore_mem>>)
        } else {
        }
        %add3A_93 = arith.constant 1 : i32
        %add3A_94 = arith.addi %mul3A_68, %add3A_93 : i32
        "tpu.region"() ({
          %run_scoped3A = tpu.sem_alloc : memref<!tpu.dma_semaphore, #tpu.memory_space<semaphore_mem>>
          %dma_start3A_95 = arith.constant 0 : i32
          %dma_start3A_96 = tpu.memref_slice %arg18[%add3A_94, %dma_start3A_95] : memref<80x128xi32, #tpu.memory_space<vmem>> -> memref<1x128xi32, #tpu.memory_space<vmem>>
          %dma_start3A_97 = tpu.memref_squeeze %dma_start3A_96 : memref<1x128xi32, #tpu.memory_space<vmem>> -> memref<128xi32, #tpu.memory_space<vmem>>
          %dma_start3A_98 = arith.constant 0 : i32
          %dma_start3A_99 = arith.constant 0 : i32
          %dma_start3A_100 = tpu.memref_slice %arg21[%dma_start3A_98, %dma_start3A_99] : memref<10240x64xf32, #tpu.memory_space<vmem_shared>> -> memref<10240x64xf32, #tpu.memory_space<vmem_shared>>
          tpu.enqueue_indirect_dma source(%arg20 : memref<128x64xf32, #tpu.memory_space<vmem>>) target(%dma_start3A_100 : memref<10240x64xf32, #tpu.memory_space<vmem_shared>>) offsets(%dma_start3A_97 : memref<128xi32, #tpu.memory_space<vmem>>) semaphore(%run_scoped3A : memref<!tpu.dma_semaphore, #tpu.memory_space<semaphore_mem>>) {add = true}
          %dma_wait3A_101 = arith.constant 0 : i32
          %dma_wait3A_102 = tpu.memref_slice %arg18[%add3A_94, %dma_wait3A_101] : memref<80x128xi32, #tpu.memory_space<vmem>> -> memref<1x128xi32, #tpu.memory_space<vmem>>
          %dma_wait3A_103 = tpu.memref_squeeze %dma_wait3A_102 : memref<1x128xi32, #tpu.memory_space<vmem>> -> memref<128xi32, #tpu.memory_space<vmem>>
          %dma_wait3A_104 = arith.constant 0 : i32
          %dma_wait3A_105 = arith.constant 0 : i32
          %dma_wait3A_106 = tpu.memref_slice %arg21[%dma_wait3A_104, %dma_wait3A_105] : memref<10240x64xf32, #tpu.memory_space<vmem_shared>> -> memref<10240x64xf32, #tpu.memory_space<vmem_shared>>
          tpu.wait_indirect_dma semaphore(%run_scoped3A : memref<!tpu.dma_semaphore, #tpu.memory_space<semaphore_mem>>) src(%arg20 : memref<128x64xf32, #tpu.memory_space<vmem>>) dst(%dma_wait3A_106 : memref<10240x64xf32, #tpu.memory_space<vmem_shared>>)
          tpu.yield
        }) : () -> ()
      }
      %scan3A_65 = arith.constant 40 : i32
    } else {
    }
    %eq3A_7 = arith.constant 1 : i32
    %eq3A_8 = arith.cmpi eq, %arg0, %eq3A_7 : i32
    %convert_element_type3A_9 = arith.extui %eq3A_8 : i1 to i32
    %cond3A_10 = arith.constant 0 : i32
    %cond3A_11 = arith.cmpi ne, %convert_element_type3A_9, %cond3A_10 : i32
    scf.if %cond3A_11 {
      %dma_start3A = arith.constant 0 : i32
      %dma_start3A_55 = arith.constant 0 : i32
      %dma_start3A_56 = tpu.memref_slice %arg17[%dma_start3A, %dma_start3A_55] : memref<80x128xi32, #tpu.memory_space<vmem>> -> memref<1x128xi32, #tpu.memory_space<vmem>>
      %dma_start3A_57 = tpu.memref_squeeze %dma_start3A_56 : memref<1x128xi32, #tpu.memory_space<vmem>> -> memref<128xi32, #tpu.memory_space<vmem>>
      %dma_start3A_58 = arith.constant 0 : i32
      %dma_start3A_59 = arith.constant 0 : i32
      %dma_start3A_60 = tpu.memref_slice %arg4[%dma_start3A_58, %dma_start3A_59] : memref<10000x64xf32, #tpu.memory_space<hbm>> -> memref<10000x64xf32, #tpu.memory_space<hbm>>
      tpu.enqueue_indirect_dma source(%dma_start3A_60 : memref<10000x64xf32, #tpu.memory_space<hbm>>) target(%arg19 : memref<128x64xf32, #tpu.memory_space<vmem>>) offsets(%dma_start3A_57 : memref<128xi32, #tpu.memory_space<vmem>>) semaphore(%arg22 : memref<!tpu.dma_semaphore, #tpu.memory_space<semaphore_mem>>)
      %scan3A = arith.constant 0 : i32
      %scan3A_61 = arith.constant 0 : i32
      %scan3A_62 = arith.constant 40 : i32
      %scan3A_63 = arith.addi %scan3A_61, %scan3A_62 : i32
      %scan3A_64 = arith.constant 1 : i32
      scf.for %scan3A_66 = %scan3A_61 to %scan3A_63 step %scan3A_64  : i32 {
        %mul3A_67 = arith.constant 2 : i32
        %mul3A_68 = arith.muli %mul3A_67, %scan3A_66 : i32
        %dma_wait3A = arith.constant 0 : i32
        %dma_wait3A_69 = tpu.memref_slice %arg17[%mul3A_68, %dma_wait3A] : memref<80x128xi32, #tpu.memory_space<vmem>> -> memref<1x128xi32, #tpu.memory_space<vmem>>
        %dma_wait3A_70 = tpu.memref_squeeze %dma_wait3A_69 : memref<1x128xi32, #tpu.memory_space<vmem>> -> memref<128xi32, #tpu.memory_space<vmem>>
        %dma_wait3A_71 = arith.constant 0 : i32
        %dma_wait3A_72 = arith.constant 0 : i32
        %dma_wait3A_73 = tpu.memref_slice %arg4[%dma_wait3A_71, %dma_wait3A_72] : memref<10000x64xf32, #tpu.memory_space<hbm>> -> memref<10000x64xf32, #tpu.memory_space<hbm>>
        tpu.wait_indirect_dma semaphore(%arg22 : memref<!tpu.dma_semaphore, #tpu.memory_space<semaphore_mem>>) src(%dma_wait3A_73 : memref<10000x64xf32, #tpu.memory_space<hbm>>) dst(%arg19 : memref<128x64xf32, #tpu.memory_space<vmem>>)
        %add3A = arith.constant 1 : i32
        %add3A_74 = arith.addi %mul3A_68, %add3A : i32
        %dma_start3A_75 = arith.constant 0 : i32
        %dma_start3A_76 = tpu.memref_slice %arg17[%add3A_74, %dma_start3A_75] : memref<80x128xi32, #tpu.memory_space<vmem>> -> memref<1x128xi32, #tpu.memory_space<vmem>>
        %dma_start3A_77 = tpu.memref_squeeze %dma_start3A_76 : memref<1x128xi32, #tpu.memory_space<vmem>> -> memref<128xi32, #tpu.memory_space<vmem>>
        %dma_start3A_78 = arith.constant 0 : i32
        %dma_start3A_79 = arith.constant 0 : i32
        %dma_start3A_80 = tpu.memref_slice %arg4[%dma_start3A_78, %dma_start3A_79] : memref<10000x64xf32, #tpu.memory_space<hbm>> -> memref<10000x64xf32, #tpu.memory_space<hbm>>
        tpu.enqueue_indirect_dma source(%dma_start3A_80 : memref<10000x64xf32, #tpu.memory_space<hbm>>) target(%arg20 : memref<128x64xf32, #tpu.memory_space<vmem>>) offsets(%dma_start3A_77 : memref<128xi32, #tpu.memory_space<vmem>>) semaphore(%arg23 : memref<!tpu.dma_semaphore, #tpu.memory_space<semaphore_mem>>)
        "tpu.region"() ({
          %run_scoped3A = tpu.sem_alloc : memref<!tpu.dma_semaphore, #tpu.memory_space<semaphore_mem>>
          %dma_start3A_97 = arith.constant 0 : i32
          %dma_start3A_98 = tpu.memref_slice %arg18[%mul3A_68, %dma_start3A_97] : memref<80x128xi32, #tpu.memory_space<vmem>> -> memref<1x128xi32, #tpu.memory_space<vmem>>
          %dma_start3A_99 = tpu.memref_squeeze %dma_start3A_98 : memref<1x128xi32, #tpu.memory_space<vmem>> -> memref<128xi32, #tpu.memory_space<vmem>>
          %dma_start3A_100 = arith.constant 0 : i32
          %dma_start3A_101 = arith.constant 0 : i32
          %dma_start3A_102 = tpu.memref_slice %arg21[%dma_start3A_100, %dma_start3A_101] : memref<10240x64xf32, #tpu.memory_space<vmem_shared>> -> memref<10240x64xf32, #tpu.memory_space<vmem_shared>>
          tpu.enqueue_indirect_dma source(%arg19 : memref<128x64xf32, #tpu.memory_space<vmem>>) target(%dma_start3A_102 : memref<10240x64xf32, #tpu.memory_space<vmem_shared>>) offsets(%dma_start3A_99 : memref<128xi32, #tpu.memory_space<vmem>>) semaphore(%run_scoped3A : memref<!tpu.dma_semaphore, #tpu.memory_space<semaphore_mem>>) {add = true}
          %dma_wait3A_103 = arith.constant 0 : i32
          %dma_wait3A_104 = tpu.memref_slice %arg18[%mul3A_68, %dma_wait3A_103] : memref<80x128xi32, #tpu.memory_space<vmem>> -> memref<1x128xi32, #tpu.memory_space<vmem>>
          %dma_wait3A_105 = tpu.memref_squeeze %dma_wait3A_104 : memref<1x128xi32, #tpu.memory_space<vmem>> -> memref<128xi32, #tpu.memory_space<vmem>>
          %dma_wait3A_106 = arith.constant 0 : i32
          %dma_wait3A_107 = arith.constant 0 : i32
          %dma_wait3A_108 = tpu.memref_slice %arg21[%dma_wait3A_106, %dma_wait3A_107] : memref<10240x64xf32, #tpu.memory_space<vmem_shared>> -> memref<10240x64xf32, #tpu.memory_space<vmem_shared>>
          tpu.wait_indirect_dma semaphore(%run_scoped3A : memref<!tpu.dma_semaphore, #tpu.memory_space<semaphore_mem>>) src(%arg19 : memref<128x64xf32, #tpu.memory_space<vmem>>) dst(%dma_wait3A_108 : memref<10240x64xf32, #tpu.memory_space<vmem_shared>>)
          tpu.yield
        }) : () -> ()
        %add3A_81 = arith.constant 1 : i32
        %add3A_82 = arith.addi %mul3A_68, %add3A_81 : i32
        %dma_wait3A_83 = arith.constant 0 : i32
        %dma_wait3A_84 = tpu.memref_slice %arg17[%add3A_82, %dma_wait3A_83] : memref<80x128xi32, #tpu.memory_space<vmem>> -> memref<1x128xi32, #tpu.memory_space<vmem>>
        %dma_wait3A_85 = tpu.memref_squeeze %dma_wait3A_84 : memref<1x128xi32, #tpu.memory_space<vmem>> -> memref<128xi32, #tpu.memory_space<vmem>>
        %dma_wait3A_86 = arith.constant 0 : i32
        %dma_wait3A_87 = arith.constant 0 : i32
        %dma_wait3A_88 = tpu.memref_slice %arg4[%dma_wait3A_86, %dma_wait3A_87] : memref<10000x64xf32, #tpu.memory_space<hbm>> -> memref<10000x64xf32, #tpu.memory_space<hbm>>
        tpu.wait_indirect_dma semaphore(%arg23 : memref<!tpu.dma_semaphore, #tpu.memory_space<semaphore_mem>>) src(%dma_wait3A_88 : memref<10000x64xf32, #tpu.memory_space<hbm>>) dst(%arg20 : memref<128x64xf32, #tpu.memory_space<vmem>>)
        %lt3A = arith.constant 39 : i32
        %lt3A_89 = arith.cmpi slt, %scan3A_66, %lt3A : i32
        %convert_element_type3A_90 = arith.extui %lt3A_89 : i1 to i32
        %cond3A_91 = arith.constant 0 : i32
        %cond3A_92 = arith.cmpi ne, %convert_element_type3A_90, %cond3A_91 : i32
        scf.if %cond3A_92 {
          %add3A_97 = arith.constant 2 : i32
          %add3A_98 = arith.addi %mul3A_68, %add3A_97 : i32
          %dma_start3A_99 = arith.constant 0 : i32
          %dma_start3A_100 = tpu.memref_slice %arg17[%add3A_98, %dma_start3A_99] : memref<80x128xi32, #tpu.memory_space<vmem>> -> memref<1x128xi32, #tpu.memory_space<vmem>>
          %dma_start3A_101 = tpu.memref_squeeze %dma_start3A_100 : memref<1x128xi32, #tpu.memory_space<vmem>> -> memref<128xi32, #tpu.memory_space<vmem>>
          %dma_start3A_102 = arith.constant 0 : i32
          %dma_start3A_103 = arith.constant 0 : i32
          %dma_start3A_104 = tpu.memref_slice %arg4[%dma_start3A_102, %dma_start3A_103] : memref<10000x64xf32, #tpu.memory_space<hbm>> -> memref<10000x64xf32, #tpu.memory_space<hbm>>
          tpu.enqueue_indirect_dma source(%dma_start3A_104 : memref<10000x64xf32, #tpu.memory_space<hbm>>) target(%arg19 : memref<128x64xf32, #tpu.memory_space<vmem>>) offsets(%dma_start3A_101 : memref<128xi32, #tpu.memory_space<vmem>>) semaphore(%arg22 : memref<!tpu.dma_semaphore, #tpu.memory_space<semaphore_mem>>)
        } else {
        }
        %add3A_93 = arith.constant 1 : i32
        %add3A_94 = arith.addi %mul3A_68, %add3A_93 : i32
        "tpu.region"() ({
          %run_scoped3A = tpu.sem_alloc : memref<!tpu.dma_semaphore, #tpu.memory_space<semaphore_mem>>
          %dma_start3A_97 = arith.constant 0 : i32
          %dma_start3A_98 = tpu.memref_slice %arg18[%add3A_94, %dma_start3A_97] : memref<80x128xi32, #tpu.memory_space<vmem>> -> memref<1x128xi32, #tpu.memory_space<vmem>>
          %dma_start3A_99 = tpu.memref_squeeze %dma_start3A_98 : memref<1x128xi32, #tpu.memory_space<vmem>> -> memref<128xi32, #tpu.memory_space<vmem>>
          %dma_start3A_100 = arith.constant 0 : i32
          %dma_start3A_101 = arith.constant 0 : i32
          %dma_start3A_102 = tpu.memref_slice %arg21[%dma_start3A_100, %dma_start3A_101] : memref<10240x64xf32, #tpu.memory_space<vmem_shared>> -> memref<10240x64xf32, #tpu.memory_space<vmem_shared>>
          tpu.enqueue_indirect_dma source(%arg20 : memref<128x64xf32, #tpu.memory_space<vmem>>) target(%dma_start3A_102 : memref<10240x64xf32, #tpu.memory_space<vmem_shared>>) offsets(%dma_start3A_99 : memref<128xi32, #tpu.memory_space<vmem>>) semaphore(%run_scoped3A : memref<!tpu.dma_semaphore, #tpu.memory_space<semaphore_mem>>) {add = true}
          %dma_wait3A_103 = arith.constant 0 : i32
          %dma_wait3A_104 = tpu.memref_slice %arg18[%add3A_94, %dma_wait3A_103] : memref<80x128xi32, #tpu.memory_space<vmem>> -> memref<1x128xi32, #tpu.memory_space<vmem>>
          %dma_wait3A_105 = tpu.memref_squeeze %dma_wait3A_104 : memref<1x128xi32, #tpu.memory_space<vmem>> -> memref<128xi32, #tpu.memory_space<vmem>>
          %dma_wait3A_106 = arith.constant 0 : i32
          %dma_wait3A_107 = arith.constant 0 : i32
          %dma_wait3A_108 = tpu.memref_slice %arg21[%dma_wait3A_106, %dma_wait3A_107] : memref<10240x64xf32, #tpu.memory_space<vmem_shared>> -> memref<10240x64xf32, #tpu.memory_space<vmem_shared>>
          tpu.wait_indirect_dma semaphore(%run_scoped3A : memref<!tpu.dma_semaphore, #tpu.memory_space<semaphore_mem>>) src(%arg20 : memref<128x64xf32, #tpu.memory_space<vmem>>) dst(%dma_wait3A_108 : memref<10240x64xf32, #tpu.memory_space<vmem_shared>>)
          tpu.yield
        }) : () -> ()
        %add3A_95 = arith.constant 1 : i32
        %add3A_96 = arith.addi %mul3A_68, %add3A_95 : i32
        "tpu.region"() ({
          %run_scoped3A = tpu.sem_alloc : memref<!tpu.dma_semaphore, #tpu.memory_space<semaphore_mem>>
          %dma_start3A_97 = arith.constant 0 : i32
          %dma_start3A_98 = tpu.memref_slice %arg18[%add3A_96, %dma_start3A_97] : memref<80x128xi32, #tpu.memory_space<vmem>> -> memref<1x128xi32, #tpu.memory_space<vmem>>
          %dma_start3A_99 = tpu.memref_squeeze %dma_start3A_98 : memref<1x128xi32, #tpu.memory_space<vmem>> -> memref<128xi32, #tpu.memory_space<vmem>>
          %dma_start3A_100 = arith.constant 0 : i32
          %dma_start3A_101 = arith.constant 0 : i32
          %dma_start3A_102 = tpu.memref_slice %arg25[%dma_start3A_100, %dma_start3A_101] : memref<10240x16xf32, #tpu.memory_space<vmem_shared>> -> memref<10240x16xf32, #tpu.memory_space<vmem_shared>>
          tpu.enqueue_indirect_dma source(%arg24 : memref<128x16xf32, #tpu.memory_space<vmem>>) target(%dma_start3A_102 : memref<10240x16xf32, #tpu.memory_space<vmem_shared>>) offsets(%dma_start3A_99 : memref<128xi32, #tpu.memory_space<vmem>>) semaphore(%run_scoped3A : memref<!tpu.dma_semaphore, #tpu.memory_space<semaphore_mem>>) {add = true}
          %dma_wait3A_103 = arith.constant 0 : i32
          %dma_wait3A_104 = tpu.memref_slice %arg18[%add3A_96, %dma_wait3A_103] : memref<80x128xi32, #tpu.memory_space<vmem>> -> memref<1x128xi32, #tpu.memory_space<vmem>>
          %dma_wait3A_105 = tpu.memref_squeeze %dma_wait3A_104 : memref<1x128xi32, #tpu.memory_space<vmem>> -> memref<128xi32, #tpu.memory_space<vmem>>
          %dma_wait3A_106 = arith.constant 0 : i32
          %dma_wait3A_107 = arith.constant 0 : i32
          %dma_wait3A_108 = tpu.memref_slice %arg25[%dma_wait3A_106, %dma_wait3A_107] : memref<10240x16xf32, #tpu.memory_space<vmem_shared>> -> memref<10240x16xf32, #tpu.memory_space<vmem_shared>>
          tpu.wait_indirect_dma semaphore(%run_scoped3A : memref<!tpu.dma_semaphore, #tpu.memory_space<semaphore_mem>>) src(%arg24 : memref<128x16xf32, #tpu.memory_space<vmem>>) dst(%dma_wait3A_108 : memref<10240x16xf32, #tpu.memory_space<vmem_shared>>)
          tpu.yield
        }) : () -> ()
      }
      %scan3A_65 = arith.constant 40 : i32
    } else {
    }
    %barrier3A_12 = arith.constant 0 : index
    tpu.barrier barrier_id(%barrier3A_12)
    %eq3A_13 = arith.constant 0 : i32
    %eq3A_14 = arith.cmpi eq, %arg0, %eq3A_13 : i32
    %convert_element_type3A_15 = arith.extui %eq3A_14 : i1 to i32
    %cond3A_16 = arith.constant 0 : i32
    %cond3A_17 = arith.cmpi ne, %convert_element_type3A_15, %cond3A_16 : i32
    scf.if %cond3A_17 {
      "tpu.region"() ({
        %run_scoped3A = tpu.sem_alloc : memref<!tpu.dma_semaphore, #tpu.memory_space<semaphore_mem>>
        %dma_start3A = arith.constant 0 : i32
        %dma_start3A_55 = tpu.memref_slice %arg11[%mul3A_0, %dma_start3A] : memref<10240x64xf32, #tpu.memory_space<hbm>> -> memref<640x64xf32, #tpu.memory_space<hbm>>
        %dma_start3A_56 = arith.constant 0 : i32
        %dma_start3A_57 = tpu.memref_slice %arg21[%mul3A_0, %dma_start3A_56] : memref<10240x64xf32, #tpu.memory_space<vmem_shared>> -> memref<640x64xf32, #tpu.memory_space<vmem_shared>>
        tpu.enqueue_dma source(%dma_start3A_57 : memref<640x64xf32, #tpu.memory_space<vmem_shared>>) target(%dma_start3A_55 : memref<640x64xf32, #tpu.memory_space<hbm>>) target_semaphore(%run_scoped3A : memref<!tpu.dma_semaphore, #tpu.memory_space<semaphore_mem>>)
        %dma_wait3A = arith.constant 0 : i32
        %dma_wait3A_58 = tpu.memref_slice %arg11[%mul3A_0, %dma_wait3A] : memref<10240x64xf32, #tpu.memory_space<hbm>> -> memref<640x64xf32, #tpu.memory_space<hbm>>
        %dma_wait3A_59 = arith.constant 0 : i32
        %dma_wait3A_60 = tpu.memref_slice %arg21[%mul3A_0, %dma_wait3A_59] : memref<10240x64xf32, #tpu.memory_space<vmem_shared>> -> memref<640x64xf32, #tpu.memory_space<vmem_shared>>
        tpu.wait_dma2 semaphore(%run_scoped3A : memref<!tpu.dma_semaphore, #tpu.memory_space<semaphore_mem>>) src(%dma_wait3A_60 : memref<640x64xf32, #tpu.memory_space<vmem_shared>>) dst(%dma_wait3A_58 : memref<640x64xf32, #tpu.memory_space<hbm>>)
        tpu.yield
      }) : () -> ()
    } else {
    }
    %eq3A_18 = arith.constant 1 : i32
    %eq3A_19 = arith.cmpi eq, %arg0, %eq3A_18 : i32
    %convert_element_type3A_20 = arith.extui %eq3A_19 : i1 to i32
    %cond3A_21 = arith.constant 0 : i32
    %cond3A_22 = arith.cmpi ne, %convert_element_type3A_20, %cond3A_21 : i32
    scf.if %cond3A_22 {
      "tpu.region"() ({
        %run_scoped3A = tpu.sem_alloc : memref<!tpu.dma_semaphore, #tpu.memory_space<semaphore_mem>>
        %dma_start3A = arith.constant 0 : i32
        %dma_start3A_55 = tpu.memref_slice %arg13[%mul3A_0, %dma_start3A] : memref<10240x64xf32, #tpu.memory_space<hbm>> -> memref<640x64xf32, #tpu.memory_space<hbm>>
        %dma_start3A_56 = arith.constant 0 : i32
        %dma_start3A_57 = tpu.memref_slice %arg21[%mul3A_0, %dma_start3A_56] : memref<10240x64xf32, #tpu.memory_space<vmem_shared>> -> memref<640x64xf32, #tpu.memory_space<vmem_shared>>
        tpu.enqueue_dma source(%dma_start3A_57 : memref<640x64xf32, #tpu.memory_space<vmem_shared>>) target(%dma_start3A_55 : memref<640x64xf32, #tpu.memory_space<hbm>>) target_semaphore(%run_scoped3A : memref<!tpu.dma_semaphore, #tpu.memory_space<semaphore_mem>>)
        %dma_wait3A = arith.constant 0 : i32
        %dma_wait3A_58 = tpu.memref_slice %arg13[%mul3A_0, %dma_wait3A] : memref<10240x64xf32, #tpu.memory_space<hbm>> -> memref<640x64xf32, #tpu.memory_space<hbm>>
        %dma_wait3A_59 = arith.constant 0 : i32
        %dma_wait3A_60 = tpu.memref_slice %arg21[%mul3A_0, %dma_wait3A_59] : memref<10240x64xf32, #tpu.memory_space<vmem_shared>> -> memref<640x64xf32, #tpu.memory_space<vmem_shared>>
        tpu.wait_dma2 semaphore(%run_scoped3A : memref<!tpu.dma_semaphore, #tpu.memory_space<semaphore_mem>>) src(%dma_wait3A_60 : memref<640x64xf32, #tpu.memory_space<vmem_shared>>) dst(%dma_wait3A_58 : memref<640x64xf32, #tpu.memory_space<hbm>>)
        tpu.yield
      }) : () -> ()
    } else {
    }
    "tpu.region"() ({
      %run_scoped3A = tpu.sem_alloc : memref<!tpu.dma_semaphore, #tpu.memory_space<semaphore_mem>>
      %dma_start3A = arith.constant 0 : i32
      %dma_start3A_55 = tpu.memref_slice %arg21[%mul3A_0, %dma_start3A] : memref<10240x64xf32, #tpu.memory_space<vmem_shared>> -> memref<640x64xf32, #tpu.memory_space<vmem_shared>>
      tpu.enqueue_dma source(%arg8 : memref<640x64xf32, #tpu.memory_space<hbm>>) target(%dma_start3A_55 : memref<640x64xf32, #tpu.memory_space<vmem_shared>>) target_semaphore(%run_scoped3A : memref<!tpu.dma_semaphore, #tpu.memory_space<semaphore_mem>>)
      %dma_wait3A = arith.constant 0 : i32
      %dma_wait3A_56 = tpu.memref_slice %arg21[%mul3A_0, %dma_wait3A] : memref<10240x64xf32, #tpu.memory_space<vmem_shared>> -> memref<640x64xf32, #tpu.memory_space<vmem_shared>>
      tpu.wait_dma2 semaphore(%run_scoped3A : memref<!tpu.dma_semaphore, #tpu.memory_space<semaphore_mem>>) src(%arg8 : memref<640x64xf32, #tpu.memory_space<hbm>>) dst(%dma_wait3A_56 : memref<640x64xf32, #tpu.memory_space<vmem_shared>>)
      tpu.yield
    }) : () -> ()
    %barrier3A_23 = arith.constant 0 : index
    tpu.barrier barrier_id(%barrier3A_23)
    %eq3A_24 = arith.constant 0 : i32
    %eq3A_25 = arith.cmpi eq, %arg0, %eq3A_24 : i32
    %convert_element_type3A_26 = arith.extui %eq3A_25 : i1 to i32
    %cond3A_27 = arith.constant 0 : i32
    %cond3A_28 = arith.cmpi ne, %convert_element_type3A_26, %cond3A_27 : i32
    scf.if %cond3A_28 {
      %dma_start3A = arith.constant 0 : i32
      %dma_start3A_55 = arith.constant 0 : i32
      %dma_start3A_56 = tpu.memref_slice %arg17[%dma_start3A, %dma_start3A_55] : memref<80x128xi32, #tpu.memory_space<vmem>> -> memref<1x128xi32, #tpu.memory_space<vmem>>
      %dma_start3A_57 = tpu.memref_squeeze %dma_start3A_56 : memref<1x128xi32, #tpu.memory_space<vmem>> -> memref<128xi32, #tpu.memory_space<vmem>>
      %dma_start3A_58 = arith.constant 0 : i32
      %dma_start3A_59 = arith.constant 0 : i32
      %dma_start3A_60 = tpu.memref_slice %arg3[%dma_start3A_58, %dma_start3A_59] : memref<10000x64xf32, #tpu.memory_space<hbm>> -> memref<10000x64xf32, #tpu.memory_space<hbm>>
      tpu.enqueue_indirect_dma source(%dma_start3A_60 : memref<10000x64xf32, #tpu.memory_space<hbm>>) target(%arg19 : memref<128x64xf32, #tpu.memory_space<vmem>>) offsets(%dma_start3A_57 : memref<128xi32, #tpu.memory_space<vmem>>) semaphore(%arg22 : memref<!tpu.dma_semaphore, #tpu.memory_space<semaphore_mem>>)
      %scan3A = arith.constant 0 : i32
      %scan3A_61 = arith.constant 0 : i32
      %scan3A_62 = arith.constant 40 : i32
      %scan3A_63 = arith.addi %scan3A_61, %scan3A_62 : i32
      %scan3A_64 = arith.constant 1 : i32
      scf.for %scan3A_66 = %scan3A_61 to %scan3A_63 step %scan3A_64  : i32 {
        %mul3A_67 = arith.constant 2 : i32
        %mul3A_68 = arith.muli %mul3A_67, %scan3A_66 : i32
        %dma_wait3A = arith.constant 0 : i32
        %dma_wait3A_69 = tpu.memref_slice %arg17[%mul3A_68, %dma_wait3A] : memref<80x128xi32, #tpu.memory_space<vmem>> -> memref<1x128xi32, #tpu.memory_space<vmem>>
        %dma_wait3A_70 = tpu.memref_squeeze %dma_wait3A_69 : memref<1x128xi32, #tpu.memory_space<vmem>> -> memref<128xi32, #tpu.memory_space<vmem>>
        %dma_wait3A_71 = arith.constant 0 : i32
        %dma_wait3A_72 = arith.constant 0 : i32
        %dma_wait3A_73 = tpu.memref_slice %arg3[%dma_wait3A_71, %dma_wait3A_72] : memref<10000x64xf32, #tpu.memory_space<hbm>> -> memref<10000x64xf32, #tpu.memory_space<hbm>>
        tpu.wait_indirect_dma semaphore(%arg22 : memref<!tpu.dma_semaphore, #tpu.memory_space<semaphore_mem>>) src(%dma_wait3A_73 : memref<10000x64xf32, #tpu.memory_space<hbm>>) dst(%arg19 : memref<128x64xf32, #tpu.memory_space<vmem>>)
        %add3A = arith.constant 1 : i32
        %add3A_74 = arith.addi %mul3A_68, %add3A : i32
        %dma_start3A_75 = arith.constant 0 : i32
        %dma_start3A_76 = tpu.memref_slice %arg17[%add3A_74, %dma_start3A_75] : memref<80x128xi32, #tpu.memory_space<vmem>> -> memref<1x128xi32, #tpu.memory_space<vmem>>
        %dma_start3A_77 = tpu.memref_squeeze %dma_start3A_76 : memref<1x128xi32, #tpu.memory_space<vmem>> -> memref<128xi32, #tpu.memory_space<vmem>>
        %dma_start3A_78 = arith.constant 0 : i32
        %dma_start3A_79 = arith.constant 0 : i32
        %dma_start3A_80 = tpu.memref_slice %arg3[%dma_start3A_78, %dma_start3A_79] : memref<10000x64xf32, #tpu.memory_space<hbm>> -> memref<10000x64xf32, #tpu.memory_space<hbm>>
        tpu.enqueue_indirect_dma source(%dma_start3A_80 : memref<10000x64xf32, #tpu.memory_space<hbm>>) target(%arg20 : memref<128x64xf32, #tpu.memory_space<vmem>>) offsets(%dma_start3A_77 : memref<128xi32, #tpu.memory_space<vmem>>) semaphore(%arg23 : memref<!tpu.dma_semaphore, #tpu.memory_space<semaphore_mem>>)
        "tpu.region"() ({
          %run_scoped3A = tpu.sem_alloc : memref<!tpu.dma_semaphore, #tpu.memory_space<semaphore_mem>>
          %dma_start3A_95 = arith.constant 0 : i32
          %dma_start3A_96 = tpu.memref_slice %arg18[%mul3A_68, %dma_start3A_95] : memref<80x128xi32, #tpu.memory_space<vmem>> -> memref<1x128xi32, #tpu.memory_space<vmem>>
          %dma_start3A_97 = tpu.memref_squeeze %dma_start3A_96 : memref<1x128xi32, #tpu.memory_space<vmem>> -> memref<128xi32, #tpu.memory_space<vmem>>
          %dma_start3A_98 = arith.constant 0 : i32
          %dma_start3A_99 = arith.constant 0 : i32
          %dma_start3A_100 = tpu.memref_slice %arg21[%dma_start3A_98, %dma_start3A_99] : memref<10240x64xf32, #tpu.memory_space<vmem_shared>> -> memref<10240x64xf32, #tpu.memory_space<vmem_shared>>
          tpu.enqueue_indirect_dma source(%arg19 : memref<128x64xf32, #tpu.memory_space<vmem>>) target(%dma_start3A_100 : memref<10240x64xf32, #tpu.memory_space<vmem_shared>>) offsets(%dma_start3A_97 : memref<128xi32, #tpu.memory_space<vmem>>) semaphore(%run_scoped3A : memref<!tpu.dma_semaphore, #tpu.memory_space<semaphore_mem>>) {add = true}
          %dma_wait3A_101 = arith.constant 0 : i32
          %dma_wait3A_102 = tpu.memref_slice %arg18[%mul3A_68, %dma_wait3A_101] : memref<80x128xi32, #tpu.memory_space<vmem>> -> memref<1x128xi32, #tpu.memory_space<vmem>>
          %dma_wait3A_103 = tpu.memref_squeeze %dma_wait3A_102 : memref<1x128xi32, #tpu.memory_space<vmem>> -> memref<128xi32, #tpu.memory_space<vmem>>
          %dma_wait3A_104 = arith.constant 0 : i32
          %dma_wait3A_105 = arith.constant 0 : i32
          %dma_wait3A_106 = tpu.memref_slice %arg21[%dma_wait3A_104, %dma_wait3A_105] : memref<10240x64xf32, #tpu.memory_space<vmem_shared>> -> memref<10240x64xf32, #tpu.memory_space<vmem_shared>>
          tpu.wait_indirect_dma semaphore(%run_scoped3A : memref<!tpu.dma_semaphore, #tpu.memory_space<semaphore_mem>>) src(%arg19 : memref<128x64xf32, #tpu.memory_space<vmem>>) dst(%dma_wait3A_106 : memref<10240x64xf32, #tpu.memory_space<vmem_shared>>)
          tpu.yield
        }) : () -> ()
        %add3A_81 = arith.constant 1 : i32
        %add3A_82 = arith.addi %mul3A_68, %add3A_81 : i32
        %dma_wait3A_83 = arith.constant 0 : i32
        %dma_wait3A_84 = tpu.memref_slice %arg17[%add3A_82, %dma_wait3A_83] : memref<80x128xi32, #tpu.memory_space<vmem>> -> memref<1x128xi32, #tpu.memory_space<vmem>>
        %dma_wait3A_85 = tpu.memref_squeeze %dma_wait3A_84 : memref<1x128xi32, #tpu.memory_space<vmem>> -> memref<128xi32, #tpu.memory_space<vmem>>
        %dma_wait3A_86 = arith.constant 0 : i32
        %dma_wait3A_87 = arith.constant 0 : i32
        %dma_wait3A_88 = tpu.memref_slice %arg3[%dma_wait3A_86, %dma_wait3A_87] : memref<10000x64xf32, #tpu.memory_space<hbm>> -> memref<10000x64xf32, #tpu.memory_space<hbm>>
        tpu.wait_indirect_dma semaphore(%arg23 : memref<!tpu.dma_semaphore, #tpu.memory_space<semaphore_mem>>) src(%dma_wait3A_88 : memref<10000x64xf32, #tpu.memory_space<hbm>>) dst(%arg20 : memref<128x64xf32, #tpu.memory_space<vmem>>)
        %lt3A = arith.constant 39 : i32
        %lt3A_89 = arith.cmpi slt, %scan3A_66, %lt3A : i32
        %convert_element_type3A_90 = arith.extui %lt3A_89 : i1 to i32
        %cond3A_91 = arith.constant 0 : i32
        %cond3A_92 = arith.cmpi ne, %convert_element_type3A_90, %cond3A_91 : i32
        scf.if %cond3A_92 {
          %add3A_95 = arith.constant 2 : i32
          %add3A_96 = arith.addi %mul3A_68, %add3A_95 : i32
          %dma_start3A_97 = arith.constant 0 : i32
          %dma_start3A_98 = tpu.memref_slice %arg17[%add3A_96, %dma_start3A_97] : memref<80x128xi32, #tpu.memory_space<vmem>> -> memref<1x128xi32, #tpu.memory_space<vmem>>
          %dma_start3A_99 = tpu.memref_squeeze %dma_start3A_98 : memref<1x128xi32, #tpu.memory_space<vmem>> -> memref<128xi32, #tpu.memory_space<vmem>>
          %dma_start3A_100 = arith.constant 0 : i32
          %dma_start3A_101 = arith.constant 0 : i32
          %dma_start3A_102 = tpu.memref_slice %arg3[%dma_start3A_100, %dma_start3A_101] : memref<10000x64xf32, #tpu.memory_space<hbm>> -> memref<10000x64xf32, #tpu.memory_space<hbm>>
          tpu.enqueue_indirect_dma source(%dma_start3A_102 : memref<10000x64xf32, #tpu.memory_space<hbm>>) target(%arg19 : memref<128x64xf32, #tpu.memory_space<vmem>>) offsets(%dma_start3A_99 : memref<128xi32, #tpu.memory_space<vmem>>) semaphore(%arg22 : memref<!tpu.dma_semaphore, #tpu.memory_space<semaphore_mem>>)
        } else {
        }
        %add3A_93 = arith.constant 1 : i32
        %add3A_94 = arith.addi %mul3A_68, %add3A_93 : i32
        "tpu.region"() ({
          %run_scoped3A = tpu.sem_alloc : memref<!tpu.dma_semaphore, #tpu.memory_space<semaphore_mem>>
          %dma_start3A_95 = arith.constant 0 : i32
          %dma_start3A_96 = tpu.memref_slice %arg18[%add3A_94, %dma_start3A_95] : memref<80x128xi32, #tpu.memory_space<vmem>> -> memref<1x128xi32, #tpu.memory_space<vmem>>
          %dma_start3A_97 = tpu.memref_squeeze %dma_start3A_96 : memref<1x128xi32, #tpu.memory_space<vmem>> -> memref<128xi32, #tpu.memory_space<vmem>>
          %dma_start3A_98 = arith.constant 0 : i32
          %dma_start3A_99 = arith.constant 0 : i32
          %dma_start3A_100 = tpu.memref_slice %arg21[%dma_start3A_98, %dma_start3A_99] : memref<10240x64xf32, #tpu.memory_space<vmem_shared>> -> memref<10240x64xf32, #tpu.memory_space<vmem_shared>>
          tpu.enqueue_indirect_dma source(%arg20 : memref<128x64xf32, #tpu.memory_space<vmem>>) target(%dma_start3A_100 : memref<10240x64xf32, #tpu.memory_space<vmem_shared>>) offsets(%dma_start3A_97 : memref<128xi32, #tpu.memory_space<vmem>>) semaphore(%run_scoped3A : memref<!tpu.dma_semaphore, #tpu.memory_space<semaphore_mem>>) {add = true}
          %dma_wait3A_101 = arith.constant 0 : i32
          %dma_wait3A_102 = tpu.memref_slice %arg18[%add3A_94, %dma_wait3A_101] : memref<80x128xi32, #tpu.memory_space<vmem>> -> memref<1x128xi32, #tpu.memory_space<vmem>>
          %dma_wait3A_103 = tpu.memref_squeeze %dma_wait3A_102 : memref<1x128xi32, #tpu.memory_space<vmem>> -> memref<128xi32, #tpu.memory_space<vmem>>
          %dma_wait3A_104 = arith.constant 0 : i32
          %dma_wait3A_105 = arith.constant 0 : i32
          %dma_wait3A_106 = tpu.memref_slice %arg21[%dma_wait3A_104, %dma_wait3A_105] : memref<10240x64xf32, #tpu.memory_space<vmem_shared>> -> memref<10240x64xf32, #tpu.memory_space<vmem_shared>>
          tpu.wait_indirect_dma semaphore(%run_scoped3A : memref<!tpu.dma_semaphore, #tpu.memory_space<semaphore_mem>>) src(%arg20 : memref<128x64xf32, #tpu.memory_space<vmem>>) dst(%dma_wait3A_106 : memref<10240x64xf32, #tpu.memory_space<vmem_shared>>)
          tpu.yield
        }) : () -> ()
      }
      %scan3A_65 = arith.constant 40 : i32
    } else {
    }
    %eq3A_29 = arith.constant 1 : i32
    %eq3A_30 = arith.cmpi eq, %arg0, %eq3A_29 : i32
    %convert_element_type3A_31 = arith.extui %eq3A_30 : i1 to i32
    %cond3A_32 = arith.constant 0 : i32
    %cond3A_33 = arith.cmpi ne, %convert_element_type3A_31, %cond3A_32 : i32
    scf.if %cond3A_33 {
      %dma_start3A = arith.constant 0 : i32
      %dma_start3A_55 = arith.constant 0 : i32
      %dma_start3A_56 = tpu.memref_slice %arg17[%dma_start3A, %dma_start3A_55] : memref<80x128xi32, #tpu.memory_space<vmem>> -> memref<1x128xi32, #tpu.memory_space<vmem>>
      %dma_start3A_57 = tpu.memref_squeeze %dma_start3A_56 : memref<1x128xi32, #tpu.memory_space<vmem>> -> memref<128xi32, #tpu.memory_space<vmem>>
      %dma_start3A_58 = arith.constant 0 : i32
      %dma_start3A_59 = arith.constant 0 : i32
      %dma_start3A_60 = tpu.memref_slice %arg5[%dma_start3A_58, %dma_start3A_59] : memref<10000x64xf32, #tpu.memory_space<hbm>> -> memref<10000x64xf32, #tpu.memory_space<hbm>>
      tpu.enqueue_indirect_dma source(%dma_start3A_60 : memref<10000x64xf32, #tpu.memory_space<hbm>>) target(%arg19 : memref<128x64xf32, #tpu.memory_space<vmem>>) offsets(%dma_start3A_57 : memref<128xi32, #tpu.memory_space<vmem>>) semaphore(%arg22 : memref<!tpu.dma_semaphore, #tpu.memory_space<semaphore_mem>>)
      %scan3A = arith.constant 0 : i32
      %scan3A_61 = arith.constant 0 : i32
      %scan3A_62 = arith.constant 40 : i32
      %scan3A_63 = arith.addi %scan3A_61, %scan3A_62 : i32
      %scan3A_64 = arith.constant 1 : i32
      scf.for %scan3A_66 = %scan3A_61 to %scan3A_63 step %scan3A_64  : i32 {
        %mul3A_67 = arith.constant 2 : i32
        %mul3A_68 = arith.muli %mul3A_67, %scan3A_66 : i32
        %dma_wait3A = arith.constant 0 : i32
        %dma_wait3A_69 = tpu.memref_slice %arg17[%mul3A_68, %dma_wait3A] : memref<80x128xi32, #tpu.memory_space<vmem>> -> memref<1x128xi32, #tpu.memory_space<vmem>>
        %dma_wait3A_70 = tpu.memref_squeeze %dma_wait3A_69 : memref<1x128xi32, #tpu.memory_space<vmem>> -> memref<128xi32, #tpu.memory_space<vmem>>
        %dma_wait3A_71 = arith.constant 0 : i32
        %dma_wait3A_72 = arith.constant 0 : i32
        %dma_wait3A_73 = tpu.memref_slice %arg5[%dma_wait3A_71, %dma_wait3A_72] : memref<10000x64xf32, #tpu.memory_space<hbm>> -> memref<10000x64xf32, #tpu.memory_space<hbm>>
        tpu.wait_indirect_dma semaphore(%arg22 : memref<!tpu.dma_semaphore, #tpu.memory_space<semaphore_mem>>) src(%dma_wait3A_73 : memref<10000x64xf32, #tpu.memory_space<hbm>>) dst(%arg19 : memref<128x64xf32, #tpu.memory_space<vmem>>)
        %add3A = arith.constant 1 : i32
        %add3A_74 = arith.addi %mul3A_68, %add3A : i32
        %dma_start3A_75 = arith.constant 0 : i32
        %dma_start3A_76 = tpu.memref_slice %arg17[%add3A_74, %dma_start3A_75] : memref<80x128xi32, #tpu.memory_space<vmem>> -> memref<1x128xi32, #tpu.memory_space<vmem>>
        %dma_start3A_77 = tpu.memref_squeeze %dma_start3A_76 : memref<1x128xi32, #tpu.memory_space<vmem>> -> memref<128xi32, #tpu.memory_space<vmem>>
        %dma_start3A_78 = arith.constant 0 : i32
        %dma_start3A_79 = arith.constant 0 : i32
        %dma_start3A_80 = tpu.memref_slice %arg5[%dma_start3A_78, %dma_start3A_79] : memref<10000x64xf32, #tpu.memory_space<hbm>> -> memref<10000x64xf32, #tpu.memory_space<hbm>>
        tpu.enqueue_indirect_dma source(%dma_start3A_80 : memref<10000x64xf32, #tpu.memory_space<hbm>>) target(%arg20 : memref<128x64xf32, #tpu.memory_space<vmem>>) offsets(%dma_start3A_77 : memref<128xi32, #tpu.memory_space<vmem>>) semaphore(%arg23 : memref<!tpu.dma_semaphore, #tpu.memory_space<semaphore_mem>>)
        "tpu.region"() ({
          %run_scoped3A = tpu.sem_alloc : memref<!tpu.dma_semaphore, #tpu.memory_space<semaphore_mem>>
          %dma_start3A_95 = arith.constant 0 : i32
          %dma_start3A_96 = tpu.memref_slice %arg18[%mul3A_68, %dma_start3A_95] : memref<80x128xi32, #tpu.memory_space<vmem>> -> memref<1x128xi32, #tpu.memory_space<vmem>>
          %dma_start3A_97 = tpu.memref_squeeze %dma_start3A_96 : memref<1x128xi32, #tpu.memory_space<vmem>> -> memref<128xi32, #tpu.memory_space<vmem>>
          %dma_start3A_98 = arith.constant 0 : i32
          %dma_start3A_99 = arith.constant 0 : i32
          %dma_start3A_100 = tpu.memref_slice %arg21[%dma_start3A_98, %dma_start3A_99] : memref<10240x64xf32, #tpu.memory_space<vmem_shared>> -> memref<10240x64xf32, #tpu.memory_space<vmem_shared>>
          tpu.enqueue_indirect_dma source(%arg19 : memref<128x64xf32, #tpu.memory_space<vmem>>) target(%dma_start3A_100 : memref<10240x64xf32, #tpu.memory_space<vmem_shared>>) offsets(%dma_start3A_97 : memref<128xi32, #tpu.memory_space<vmem>>) semaphore(%run_scoped3A : memref<!tpu.dma_semaphore, #tpu.memory_space<semaphore_mem>>) {add = true}
          %dma_wait3A_101 = arith.constant 0 : i32
          %dma_wait3A_102 = tpu.memref_slice %arg18[%mul3A_68, %dma_wait3A_101] : memref<80x128xi32, #tpu.memory_space<vmem>> -> memref<1x128xi32, #tpu.memory_space<vmem>>
          %dma_wait3A_103 = tpu.memref_squeeze %dma_wait3A_102 : memref<1x128xi32, #tpu.memory_space<vmem>> -> memref<128xi32, #tpu.memory_space<vmem>>
          %dma_wait3A_104 = arith.constant 0 : i32
          %dma_wait3A_105 = arith.constant 0 : i32
          %dma_wait3A_106 = tpu.memref_slice %arg21[%dma_wait3A_104, %dma_wait3A_105] : memref<10240x64xf32, #tpu.memory_space<vmem_shared>> -> memref<10240x64xf32, #tpu.memory_space<vmem_shared>>
          tpu.wait_indirect_dma semaphore(%run_scoped3A : memref<!tpu.dma_semaphore, #tpu.memory_space<semaphore_mem>>) src(%arg19 : memref<128x64xf32, #tpu.memory_space<vmem>>) dst(%dma_wait3A_106 : memref<10240x64xf32, #tpu.memory_space<vmem_shared>>)
          tpu.yield
        }) : () -> ()
        %add3A_81 = arith.constant 1 : i32
        %add3A_82 = arith.addi %mul3A_68, %add3A_81 : i32
        %dma_wait3A_83 = arith.constant 0 : i32
        %dma_wait3A_84 = tpu.memref_slice %arg17[%add3A_82, %dma_wait3A_83] : memref<80x128xi32, #tpu.memory_space<vmem>> -> memref<1x128xi32, #tpu.memory_space<vmem>>
        %dma_wait3A_85 = tpu.memref_squeeze %dma_wait3A_84 : memref<1x128xi32, #tpu.memory_space<vmem>> -> memref<128xi32, #tpu.memory_space<vmem>>
        %dma_wait3A_86 = arith.constant 0 : i32
        %dma_wait3A_87 = arith.constant 0 : i32
        %dma_wait3A_88 = tpu.memref_slice %arg5[%dma_wait3A_86, %dma_wait3A_87] : memref<10000x64xf32, #tpu.memory_space<hbm>> -> memref<10000x64xf32, #tpu.memory_space<hbm>>
        tpu.wait_indirect_dma semaphore(%arg23 : memref<!tpu.dma_semaphore, #tpu.memory_space<semaphore_mem>>) src(%dma_wait3A_88 : memref<10000x64xf32, #tpu.memory_space<hbm>>) dst(%arg20 : memref<128x64xf32, #tpu.memory_space<vmem>>)
        %lt3A = arith.constant 39 : i32
        %lt3A_89 = arith.cmpi slt, %scan3A_66, %lt3A : i32
        %convert_element_type3A_90 = arith.extui %lt3A_89 : i1 to i32
        %cond3A_91 = arith.constant 0 : i32
        %cond3A_92 = arith.cmpi ne, %convert_element_type3A_90, %cond3A_91 : i32
        scf.if %cond3A_92 {
          %add3A_95 = arith.constant 2 : i32
          %add3A_96 = arith.addi %mul3A_68, %add3A_95 : i32
          %dma_start3A_97 = arith.constant 0 : i32
          %dma_start3A_98 = tpu.memref_slice %arg17[%add3A_96, %dma_start3A_97] : memref<80x128xi32, #tpu.memory_space<vmem>> -> memref<1x128xi32, #tpu.memory_space<vmem>>
          %dma_start3A_99 = tpu.memref_squeeze %dma_start3A_98 : memref<1x128xi32, #tpu.memory_space<vmem>> -> memref<128xi32, #tpu.memory_space<vmem>>
          %dma_start3A_100 = arith.constant 0 : i32
          %dma_start3A_101 = arith.constant 0 : i32
          %dma_start3A_102 = tpu.memref_slice %arg5[%dma_start3A_100, %dma_start3A_101] : memref<10000x64xf32, #tpu.memory_space<hbm>> -> memref<10000x64xf32, #tpu.memory_space<hbm>>
          tpu.enqueue_indirect_dma source(%dma_start3A_102 : memref<10000x64xf32, #tpu.memory_space<hbm>>) target(%arg19 : memref<128x64xf32, #tpu.memory_space<vmem>>) offsets(%dma_start3A_99 : memref<128xi32, #tpu.memory_space<vmem>>) semaphore(%arg22 : memref<!tpu.dma_semaphore, #tpu.memory_space<semaphore_mem>>)
        } else {
        }
        %add3A_93 = arith.constant 1 : i32
        %add3A_94 = arith.addi %mul3A_68, %add3A_93 : i32
        "tpu.region"() ({
          %run_scoped3A = tpu.sem_alloc : memref<!tpu.dma_semaphore, #tpu.memory_space<semaphore_mem>>
          %dma_start3A_95 = arith.constant 0 : i32
          %dma_start3A_96 = tpu.memref_slice %arg18[%add3A_94, %dma_start3A_95] : memref<80x128xi32, #tpu.memory_space<vmem>> -> memref<1x128xi32, #tpu.memory_space<vmem>>
          %dma_start3A_97 = tpu.memref_squeeze %dma_start3A_96 : memref<1x128xi32, #tpu.memory_space<vmem>> -> memref<128xi32, #tpu.memory_space<vmem>>
          %dma_start3A_98 = arith.constant 0 : i32
          %dma_start3A_99 = arith.constant 0 : i32
          %dma_start3A_100 = tpu.memref_slice %arg21[%dma_start3A_98, %dma_start3A_99] : memref<10240x64xf32, #tpu.memory_space<vmem_shared>> -> memref<10240x64xf32, #tpu.memory_space<vmem_shared>>
          tpu.enqueue_indirect_dma source(%arg20 : memref<128x64xf32, #tpu.memory_space<vmem>>) target(%dma_start3A_100 : memref<10240x64xf32, #tpu.memory_space<vmem_shared>>) offsets(%dma_start3A_97 : memref<128xi32, #tpu.memory_space<vmem>>) semaphore(%run_scoped3A : memref<!tpu.dma_semaphore, #tpu.memory_space<semaphore_mem>>) {add = true}
          %dma_wait3A_101 = arith.constant 0 : i32
          %dma_wait3A_102 = tpu.memref_slice %arg18[%add3A_94, %dma_wait3A_101] : memref<80x128xi32, #tpu.memory_space<vmem>> -> memref<1x128xi32, #tpu.memory_space<vmem>>
          %dma_wait3A_103 = tpu.memref_squeeze %dma_wait3A_102 : memref<1x128xi32, #tpu.memory_space<vmem>> -> memref<128xi32, #tpu.memory_space<vmem>>
          %dma_wait3A_104 = arith.constant 0 : i32
          %dma_wait3A_105 = arith.constant 0 : i32
          %dma_wait3A_106 = tpu.memref_slice %arg21[%dma_wait3A_104, %dma_wait3A_105] : memref<10240x64xf32, #tpu.memory_space<vmem_shared>> -> memref<10240x64xf32, #tpu.memory_space<vmem_shared>>
          tpu.wait_indirect_dma semaphore(%run_scoped3A : memref<!tpu.dma_semaphore, #tpu.memory_space<semaphore_mem>>) src(%arg20 : memref<128x64xf32, #tpu.memory_space<vmem>>) dst(%dma_wait3A_106 : memref<10240x64xf32, #tpu.memory_space<vmem_shared>>)
          tpu.yield
        }) : () -> ()
      }
      %scan3A_65 = arith.constant 40 : i32
    } else {
    }
    %barrier3A_34 = arith.constant 0 : index
    tpu.barrier barrier_id(%barrier3A_34)
    %eq3A_35 = arith.constant 0 : i32
    %eq3A_36 = arith.cmpi eq, %arg0, %eq3A_35 : i32
    %convert_element_type3A_37 = arith.extui %eq3A_36 : i1 to i32
    %cond3A_38 = arith.constant 0 : i32
    %cond3A_39 = arith.cmpi ne, %convert_element_type3A_37, %cond3A_38 : i32
    scf.if %cond3A_39 {
      "tpu.region"() ({
        %run_scoped3A = tpu.sem_alloc : memref<!tpu.dma_semaphore, #tpu.memory_space<semaphore_mem>>
        %dma_start3A = arith.constant 0 : i32
        %dma_start3A_55 = tpu.memref_slice %arg12[%mul3A_0, %dma_start3A] : memref<10240x64xf32, #tpu.memory_space<hbm>> -> memref<640x64xf32, #tpu.memory_space<hbm>>
        %dma_start3A_56 = arith.constant 0 : i32
        %dma_start3A_57 = tpu.memref_slice %arg21[%mul3A_0, %dma_start3A_56] : memref<10240x64xf32, #tpu.memory_space<vmem_shared>> -> memref<640x64xf32, #tpu.memory_space<vmem_shared>>
        tpu.enqueue_dma source(%dma_start3A_57 : memref<640x64xf32, #tpu.memory_space<vmem_shared>>) target(%dma_start3A_55 : memref<640x64xf32, #tpu.memory_space<hbm>>) target_semaphore(%run_scoped3A : memref<!tpu.dma_semaphore, #tpu.memory_space<semaphore_mem>>)
        %dma_wait3A = arith.constant 0 : i32
        %dma_wait3A_58 = tpu.memref_slice %arg12[%mul3A_0, %dma_wait3A] : memref<10240x64xf32, #tpu.memory_space<hbm>> -> memref<640x64xf32, #tpu.memory_space<hbm>>
        %dma_wait3A_59 = arith.constant 0 : i32
        %dma_wait3A_60 = tpu.memref_slice %arg21[%mul3A_0, %dma_wait3A_59] : memref<10240x64xf32, #tpu.memory_space<vmem_shared>> -> memref<640x64xf32, #tpu.memory_space<vmem_shared>>
        tpu.wait_dma2 semaphore(%run_scoped3A : memref<!tpu.dma_semaphore, #tpu.memory_space<semaphore_mem>>) src(%dma_wait3A_60 : memref<640x64xf32, #tpu.memory_space<vmem_shared>>) dst(%dma_wait3A_58 : memref<640x64xf32, #tpu.memory_space<hbm>>)
        tpu.yield
      }) : () -> ()
    } else {
    }
    %eq3A_40 = arith.constant 1 : i32
    %eq3A_41 = arith.cmpi eq, %arg0, %eq3A_40 : i32
    %convert_element_type3A_42 = arith.extui %eq3A_41 : i1 to i32
    %cond3A_43 = arith.constant 0 : i32
    %cond3A_44 = arith.cmpi ne, %convert_element_type3A_42, %cond3A_43 : i32
    scf.if %cond3A_44 {
      "tpu.region"() ({
        %run_scoped3A = tpu.sem_alloc : memref<!tpu.dma_semaphore, #tpu.memory_space<semaphore_mem>>
        %dma_start3A = arith.constant 0 : i32
        %dma_start3A_55 = tpu.memref_slice %arg14[%mul3A_0, %dma_start3A] : memref<10240x64xf32, #tpu.memory_space<hbm>> -> memref<640x64xf32, #tpu.memory_space<hbm>>
        %dma_start3A_56 = arith.constant 0 : i32
        %dma_start3A_57 = tpu.memref_slice %arg21[%mul3A_0, %dma_start3A_56] : memref<10240x64xf32, #tpu.memory_space<vmem_shared>> -> memref<640x64xf32, #tpu.memory_space<vmem_shared>>
        tpu.enqueue_dma source(%dma_start3A_57 : memref<640x64xf32, #tpu.memory_space<vmem_shared>>) target(%dma_start3A_55 : memref<640x64xf32, #tpu.memory_space<hbm>>) target_semaphore(%run_scoped3A : memref<!tpu.dma_semaphore, #tpu.memory_space<semaphore_mem>>)
        %dma_wait3A = arith.constant 0 : i32
        %dma_wait3A_58 = tpu.memref_slice %arg14[%mul3A_0, %dma_wait3A] : memref<10240x64xf32, #tpu.memory_space<hbm>> -> memref<640x64xf32, #tpu.memory_space<hbm>>
        %dma_wait3A_59 = arith.constant 0 : i32
        %dma_wait3A_60 = tpu.memref_slice %arg21[%mul3A_0, %dma_wait3A_59] : memref<10240x64xf32, #tpu.memory_space<vmem_shared>> -> memref<640x64xf32, #tpu.memory_space<vmem_shared>>
        tpu.wait_dma2 semaphore(%run_scoped3A : memref<!tpu.dma_semaphore, #tpu.memory_space<semaphore_mem>>) src(%dma_wait3A_60 : memref<640x64xf32, #tpu.memory_space<vmem_shared>>) dst(%dma_wait3A_58 : memref<640x64xf32, #tpu.memory_space<hbm>>)
        tpu.yield
      }) : () -> ()
    } else {
    }
    %eq3A_45 = arith.constant 0 : i32
    %eq3A_46 = arith.cmpi eq, %arg0, %eq3A_45 : i32
    %convert_element_type3A_47 = arith.extui %eq3A_46 : i1 to i32
    %cond3A_48 = arith.constant 0 : i32
    %cond3A_49 = arith.cmpi ne, %convert_element_type3A_47, %cond3A_48 : i32
    scf.if %cond3A_49 {
      "tpu.region"() ({
        %run_scoped3A = tpu.sem_alloc : memref<!tpu.dma_semaphore, #tpu.memory_space<semaphore_mem>>
        %dma_start3A = arith.constant 0 : i32
        %dma_start3A_55 = tpu.memref_slice %arg15[%mul3A_0, %dma_start3A] : memref<10240x16xf32, #tpu.memory_space<hbm>> -> memref<640x16xf32, #tpu.memory_space<hbm>>
        %dma_start3A_56 = arith.constant 0 : i32
        %dma_start3A_57 = tpu.memref_slice %arg25[%mul3A_0, %dma_start3A_56] : memref<10240x16xf32, #tpu.memory_space<vmem_shared>> -> memref<640x16xf32, #tpu.memory_space<vmem_shared>>
        tpu.enqueue_dma source(%dma_start3A_57 : memref<640x16xf32, #tpu.memory_space<vmem_shared>>) target(%dma_start3A_55 : memref<640x16xf32, #tpu.memory_space<hbm>>) target_semaphore(%run_scoped3A : memref<!tpu.dma_semaphore, #tpu.memory_space<semaphore_mem>>)
        %dma_wait3A = arith.constant 0 : i32
        %dma_wait3A_58 = tpu.memref_slice %arg15[%mul3A_0, %dma_wait3A] : memref<10240x16xf32, #tpu.memory_space<hbm>> -> memref<640x16xf32, #tpu.memory_space<hbm>>
        %dma_wait3A_59 = arith.constant 0 : i32
        %dma_wait3A_60 = tpu.memref_slice %arg25[%mul3A_0, %dma_wait3A_59] : memref<10240x16xf32, #tpu.memory_space<vmem_shared>> -> memref<640x16xf32, #tpu.memory_space<vmem_shared>>
        tpu.wait_dma2 semaphore(%run_scoped3A : memref<!tpu.dma_semaphore, #tpu.memory_space<semaphore_mem>>) src(%dma_wait3A_60 : memref<640x16xf32, #tpu.memory_space<vmem_shared>>) dst(%dma_wait3A_58 : memref<640x16xf32, #tpu.memory_space<hbm>>)
        tpu.yield
      }) : () -> ()
    } else {
    }
    %eq3A_50 = arith.constant 1 : i32
    %eq3A_51 = arith.cmpi eq, %arg0, %eq3A_50 : i32
    %convert_element_type3A_52 = arith.extui %eq3A_51 : i1 to i32
    %cond3A_53 = arith.constant 0 : i32
    %cond3A_54 = arith.cmpi ne, %convert_element_type3A_52, %cond3A_53 : i32
    scf.if %cond3A_54 {
      "tpu.region"() ({
        %run_scoped3A = tpu.sem_alloc : memref<!tpu.dma_semaphore, #tpu.memory_space<semaphore_mem>>
        %dma_start3A = arith.constant 0 : i32
        %dma_start3A_55 = tpu.memref_slice %arg16[%mul3A_0, %dma_start3A] : memref<10240x16xf32, #tpu.memory_space<hbm>> -> memref<640x16xf32, #tpu.memory_space<hbm>>
        %dma_start3A_56 = arith.constant 0 : i32
        %dma_start3A_57 = tpu.memref_slice %arg25[%mul3A_0, %dma_start3A_56] : memref<10240x16xf32, #tpu.memory_space<vmem_shared>> -> memref<640x16xf32, #tpu.memory_space<vmem_shared>>
        tpu.enqueue_dma source(%dma_start3A_57 : memref<640x16xf32, #tpu.memory_space<vmem_shared>>) target(%dma_start3A_55 : memref<640x16xf32, #tpu.memory_space<hbm>>) target_semaphore(%run_scoped3A : memref<!tpu.dma_semaphore, #tpu.memory_space<semaphore_mem>>)
        %dma_wait3A = arith.constant 0 : i32
        %dma_wait3A_58 = tpu.memref_slice %arg16[%mul3A_0, %dma_wait3A] : memref<10240x16xf32, #tpu.memory_space<hbm>> -> memref<640x16xf32, #tpu.memory_space<hbm>>
        %dma_wait3A_59 = arith.constant 0 : i32
        %dma_wait3A_60 = tpu.memref_slice %arg25[%mul3A_0, %dma_wait3A_59] : memref<10240x16xf32, #tpu.memory_space<vmem_shared>> -> memref<640x16xf32, #tpu.memory_space<vmem_shared>>
        tpu.wait_dma2 semaphore(%run_scoped3A : memref<!tpu.dma_semaphore, #tpu.memory_space<semaphore_mem>>) src(%dma_wait3A_60 : memref<640x16xf32, #tpu.memory_space<vmem_shared>>) dst(%dma_wait3A_58 : memref<640x16xf32, #tpu.memory_space<hbm>>)
        tpu.yield
      }) : () -> ()
    } else {
    }
    return
  }
}

module attributes {stable_mosaic.version = 14 : i64} {
  func.func @_tc1a_body(%arg0: i32, %arg1: memref<1000x256xf32, #tpu.memory_space<vmem>>, %arg2: memref<256x256xf32, #tpu.memory_space<vmem>>, %arg3: memref<1000x64xf32, #tpu.memory_space<vmem>>, %arg4: memref<1000x64xf32, #tpu.memory_space<vmem>>, %arg5: memref<1000x64xf32, #tpu.memory_space<vmem>>, %arg6: memref<1000x64xf32, #tpu.memory_space<vmem>>) attributes {dimension_semantics = [#tpu.dimension_semantics<arbitrary>], iteration_bounds = array<i64: 10>, scalar_prefetch = 0 : i64, scratch_operands = 0 : i64, tpu.core_type = #tpu.core_type<tc>, window_params = [{transform_indices = @transform_0, window_bounds = array<i64: 1000, 256>}, {pipeline_mode = #tpu.pipeline_mode<synchronous>, transform_indices = @transform_1, window_bounds = array<i64: 256, 256>}, {transform_indices = @transform_2, window_bounds = array<i64: 1000, 64>}, {transform_indices = @transform_3, window_bounds = array<i64: 1000, 64>}, {transform_indices = @transform_4, window_bounds = array<i64: 1000, 64>}, {transform_indices = @transform_5, window_bounds = array<i64: 1000, 64>}]} {
    %get3A = arith.constant 0 : index
    %get3A_0 = arith.constant 0 : index
    %get3A_1 = vector.load %arg1[%get3A, %get3A_0] : memref<1000x256xf32, #tpu.memory_space<vmem>>, vector<1000x256xf32>
    %get3A_2 = arith.constant 0 : index
    %get3A_3 = arith.constant 0 : index
    %get3A_4 = vector.load %arg2[%get3A_2, %get3A_3] : memref<256x256xf32, #tpu.memory_space<vmem>>, vector<256x256xf32>
    %dot_general3A = arith.constant dense<0.000000e+00> : vector<1000x256xf32>
    %dot_general3A_5 = tpu.matmul %get3A_1, %get3A_4, %dot_general3A {dimension_numbers = #tpu.dot_dimension_numbers<[1], [1], [0], [0], [0, 0, 1, 0], [], []>, transpose_lhs_hint = false} : vector<1000x256xf32>, vector<256x256xf32>, vector<1000x256xf32> -> vector<1000x256xf32>
    %slice3A = vector.extract_strided_slice %dot_general3A_5 {offsets = [0, 0], sizes = [1000, 64], strides = [1, 1]} : vector<1000x256xf32> to vector<1000x64xf32>
    %swap3A = arith.constant 0 : index
    %swap3A_6 = arith.constant 0 : index
    %swap3A_7 = vector.load %arg3[%swap3A, %swap3A_6] : memref<1000x64xf32, #tpu.memory_space<vmem>>, vector<1000x64xf32>
    tpu.vector_store %arg3[%swap3A, %swap3A_6], %slice3A {strides = array<i32>} : memref<1000x64xf32, #tpu.memory_space<vmem>>, vector<1000x64xf32>,
    %slice3A_8 = vector.extract_strided_slice %dot_general3A_5 {offsets = [0, 64], sizes = [1000, 64], strides = [1, 1]} : vector<1000x256xf32> to vector<1000x64xf32>
    %swap3A_9 = arith.constant 0 : index
    %swap3A_10 = arith.constant 0 : index
    %swap3A_11 = vector.load %arg4[%swap3A_9, %swap3A_10] : memref<1000x64xf32, #tpu.memory_space<vmem>>, vector<1000x64xf32>
    tpu.vector_store %arg4[%swap3A_9, %swap3A_10], %slice3A_8 {strides = array<i32>} : memref<1000x64xf32, #tpu.memory_space<vmem>>, vector<1000x64xf32>,
    %slice3A_12 = vector.extract_strided_slice %dot_general3A_5 {offsets = [0, 128], sizes = [1000, 64], strides = [1, 1]} : vector<1000x256xf32> to vector<1000x64xf32>
    %swap3A_13 = arith.constant 0 : index
    %swap3A_14 = arith.constant 0 : index
    %swap3A_15 = vector.load %arg5[%swap3A_13, %swap3A_14] : memref<1000x64xf32, #tpu.memory_space<vmem>>, vector<1000x64xf32>
    tpu.vector_store %arg5[%swap3A_13, %swap3A_14], %slice3A_12 {strides = array<i32>} : memref<1000x64xf32, #tpu.memory_space<vmem>>, vector<1000x64xf32>,
    %slice3A_16 = vector.extract_strided_slice %dot_general3A_5 {offsets = [0, 192], sizes = [1000, 64], strides = [1, 1]} : vector<1000x256xf32> to vector<1000x64xf32>
    %swap3A_17 = arith.constant 0 : index
    %swap3A_18 = arith.constant 0 : index
    %swap3A_19 = vector.load %arg6[%swap3A_17, %swap3A_18] : memref<1000x64xf32, #tpu.memory_space<vmem>>, vector<1000x64xf32>
    tpu.vector_store %arg6[%swap3A_17, %swap3A_18], %slice3A_16 {strides = array<i32>} : memref<1000x64xf32, #tpu.memory_space<vmem>>, vector<1000x64xf32>,
    return
  }
  func.func @transform_0(%arg0: i32) -> (i32, i32) {
    %c0_i32 = arith.constant 0 : i32
    %c0_i32_0 = arith.constant 0 : i32
    return %arg0, %c0_i32 : i32, i32
  }
  func.func @transform_1(%arg0: i32) -> (i32, i32) {
    %c0_i32 = arith.constant 0 : i32
    %c0_i32_0 = arith.constant 0 : i32
    %c0_i32_1 = arith.constant 0 : i32
    return %c0_i32, %c0_i32_0 : i32, i32
  }
  func.func @transform_2(%arg0: i32) -> (i32, i32) {
    %c0_i32 = arith.constant 0 : i32
    %c0_i32_0 = arith.constant 0 : i32
    return %arg0, %c0_i32 : i32, i32
  }
  func.func @transform_3(%arg0: i32) -> (i32, i32) {
    %c0_i32 = arith.constant 0 : i32
    %c0_i32_0 = arith.constant 0 : i32
    return %arg0, %c0_i32 : i32, i32
  }
  func.func @transform_4(%arg0: i32) -> (i32, i32) {
    %c0_i32 = arith.constant 0 : i32
    %c0_i32_0 = arith.constant 0 : i32
    return %arg0, %c0_i32 : i32, i32
  }
  func.func @transform_5(%arg0: i32) -> (i32, i32) {
    %c0_i32 = arith.constant 0 : i32
    %c0_i32_0 = arith.constant 0 : i32
    return %arg0, %c0_i32 : i32, i32
  }
}

module attributes {stable_mosaic.version = 14 : i64} {
  func.func @_tc1b_body(%arg0: i32, %arg1: memref<1000x256xf32, #tpu.memory_space<vmem>>, %arg2: memref<256x256xf32, #tpu.memory_space<vmem>>, %arg3: memref<1x256xf32, #tpu.memory_space<vmem>>, %arg4: memref<1000x256xf32, #tpu.memory_space<vmem>>) attributes {dimension_semantics = [#tpu.dimension_semantics<arbitrary>], iteration_bounds = array<i64: 10>, scalar_prefetch = 0 : i64, scratch_operands = 0 : i64, tpu.core_type = #tpu.core_type<tc>, window_params = [{transform_indices = @transform_0, window_bounds = array<i64: 1000, 256>}, {pipeline_mode = #tpu.pipeline_mode<synchronous>, transform_indices = @transform_1, window_bounds = array<i64: 256, 256>}, {pipeline_mode = #tpu.pipeline_mode<synchronous>, transform_indices = @transform_2, window_bounds = array<i64: 1, 256>}, {transform_indices = @transform_3, window_bounds = array<i64: 1000, 256>}]} {
    %get3A = arith.constant 0 : index
    %get3A_0 = arith.constant 0 : index
    %get3A_1 = vector.load %arg1[%get3A, %get3A_0] : memref<1000x256xf32, #tpu.memory_space<vmem>>, vector<1000x256xf32>
    %get3A_2 = arith.constant 0 : index
    %get3A_3 = arith.constant 0 : index
    %get3A_4 = vector.load %arg2[%get3A_2, %get3A_3] : memref<256x256xf32, #tpu.memory_space<vmem>>, vector<256x256xf32>
    %dot_general3A = arith.constant dense<0.000000e+00> : vector<1000x256xf32>
    %dot_general3A_5 = tpu.matmul %get3A_1, %get3A_4, %dot_general3A {dimension_numbers = #tpu.dot_dimension_numbers<[1], [1], [0], [0], [0, 0, 1, 0], [], []>, transpose_lhs_hint = false} : vector<1000x256xf32>, vector<256x256xf32>, vector<1000x256xf32> -> vector<1000x256xf32>
    %get3A_6 = arith.constant 0 : index
    %get3A_7 = arith.constant 0 : index
    %get3A_8 = vector.load %arg3[%get3A_6, %get3A_7] : memref<1x256xf32, #tpu.memory_space<vmem>>, vector<1x256xf32>
    %add3A = vector.broadcast %get3A_8 : vector<1x256xf32> to vector<1000x256xf32>
    %add3A_9 = arith.addf %dot_general3A_5, %add3A : vector<1000x256xf32>
    %swap3A = arith.constant 0 : index
    %swap3A_10 = arith.constant 0 : index
    %swap3A_11 = vector.load %arg4[%swap3A, %swap3A_10] : memref<1000x256xf32, #tpu.memory_space<vmem>>, vector<1000x256xf32>
    tpu.vector_store %arg4[%swap3A, %swap3A_10], %add3A_9 {strides = array<i32>} : memref<1000x256xf32, #tpu.memory_space<vmem>>, vector<1000x256xf32>,
    return
  }
  func.func @transform_0(%arg0: i32) -> (i32, i32) {
    %c0_i32 = arith.constant 0 : i32
    %c0_i32_0 = arith.constant 0 : i32
    return %arg0, %c0_i32 : i32, i32
  }
  func.func @transform_1(%arg0: i32) -> (i32, i32) {
    %c0_i32 = arith.constant 0 : i32
    %c0_i32_0 = arith.constant 0 : i32
    %c0_i32_1 = arith.constant 0 : i32
    return %c0_i32, %c0_i32_0 : i32, i32
  }
  func.func @transform_2(%arg0: i32) -> (i32, i32) {
    %c0_i32 = arith.constant 0 : i32
    %c0_i32_0 = arith.constant 0 : i32
    %c0_i32_1 = arith.constant 0 : i32
    return %c0_i32, %c0_i32_0 : i32, i32
  }
  func.func @transform_3(%arg0: i32) -> (i32, i32) {
    %c0_i32 = arith.constant 0 : i32
    %c0_i32_0 = arith.constant 0 : i32
    return %arg0, %c0_i32 : i32, i32
  }
}

module attributes {stable_mosaic.version = 14 : i64} {
  func.func @_tc2a_body(%arg0: i32, %arg1: memref<1000x64xf32, #tpu.memory_space<vmem>>, %arg2: memref<1000x64xf32, #tpu.memory_space<vmem>>, %arg3: memref<1000x64xf32, #tpu.memory_space<vmem>>, %arg4: memref<1000x64xf32, #tpu.memory_space<vmem>>, %arg5: memref<1000x16xf32, #tpu.memory_space<vmem>>, %arg6: memref<1000x16xf32, #tpu.memory_space<vmem>>, %arg7: memref<1000x256xf32, #tpu.memory_space<vmem>>, %arg8: memref<64x256xf32, #tpu.memory_space<vmem>>, %arg9: memref<1000x64xf32, #tpu.memory_space<vmem>>) attributes {dimension_semantics = [#tpu.dimension_semantics<arbitrary>], iteration_bounds = array<i64: 10>, scalar_prefetch = 0 : i64, scratch_operands = 0 : i64, tpu.core_type = #tpu.core_type<tc>, window_params = [{transform_indices = @transform_0, window_bounds = array<i64: 1000, 64>}, {transform_indices = @transform_1, window_bounds = array<i64: 1000, 64>}, {transform_indices = @transform_2, window_bounds = array<i64: 1000, 64>}, {transform_indices = @transform_3, window_bounds = array<i64: 1000, 64>}, {transform_indices = @transform_4, window_bounds = array<i64: 1000, 16>}, {transform_indices = @transform_5, window_bounds = array<i64: 1000, 16>}, {transform_indices = @transform_6, window_bounds = array<i64: 1000, 256>}, {pipeline_mode = #tpu.pipeline_mode<synchronous>, transform_indices = @transform_7, window_bounds = array<i64: 64, 256>}, {transform_indices = @transform_8, window_bounds = array<i64: 1000, 64>}]} {
    %get3A = arith.constant 0 : index
    %get3A_0 = arith.constant 0 : index
    %get3A_1 = vector.load %arg5[%get3A, %get3A_0] : memref<1000x16xf32, #tpu.memory_space<vmem>>, vector<1000x16xf32>
    %slice3A = vector.extract_strided_slice %get3A_1 {offsets = [0, 0], sizes = [1000, 1], strides = [1, 1]} : vector<1000x16xf32> to vector<1000x1xf32>
    %get3A_2 = arith.constant 0 : index
    %get3A_3 = arith.constant 0 : index
    %get3A_4 = vector.load %arg6[%get3A_2, %get3A_3] : memref<1000x16xf32, #tpu.memory_space<vmem>>, vector<1000x16xf32>
    %slice3A_5 = vector.extract_strided_slice %get3A_4 {offsets = [0, 0], sizes = [1000, 1], strides = [1, 1]} : vector<1000x16xf32> to vector<1000x1xf32>
    %add3A = arith.addf %slice3A, %slice3A_5 : vector<1000x1xf32>
    %max3A = arith.constant 1.000000e+00 : f32
    %max3A_6 = vector.broadcast %max3A : f32 to vector<1000x1xf32>
    %max3A_7 = arith.maximumf %add3A, %max3A_6 : vector<1000x1xf32>
    %div3A = arith.constant 1.000000e+00 : f32
    %div3A_8 = vector.broadcast %div3A : f32 to vector<1000x1xf32>
    %div3A_9 = arith.divf %div3A_8, %max3A_7 : vector<1000x1xf32>
    %get3A_10 = arith.constant 0 : index
    %get3A_11 = arith.constant 0 : index
    %get3A_12 = vector.load %arg1[%get3A_10, %get3A_11] : memref<1000x64xf32, #tpu.memory_space<vmem>>, vector<1000x64xf32>
    %get3A_13 = arith.constant 0 : index
    %get3A_14 = arith.constant 0 : index
    %get3A_15 = vector.load %arg2[%get3A_13, %get3A_14] : memref<1000x64xf32, #tpu.memory_space<vmem>>, vector<1000x64xf32>
    %get3A_16 = arith.constant 0 : index
    %get3A_17 = arith.constant 0 : index
    %get3A_18 = vector.load %arg3[%get3A_16, %get3A_17] : memref<1000x64xf32, #tpu.memory_space<vmem>>, vector<1000x64xf32>
    %get3A_19 = arith.constant 0 : index
    %get3A_20 = arith.constant 0 : index
    %get3A_21 = vector.load %arg4[%get3A_19, %get3A_20] : memref<1000x64xf32, #tpu.memory_space<vmem>>, vector<1000x64xf32>
    %concatenate3A = tpu.concatenate %get3A_12, %get3A_15, %get3A_18, %get3A_21 in 1 : vector<1000x64xf32>, vector<1000x64xf32>, vector<1000x64xf32>, vector<1000x64xf32> -> vector<1000x256xf32>
    %mul3A = vector.broadcast %div3A_9 : vector<1000x1xf32> to vector<1000x256xf32>
    %mul3A_22 = arith.mulf %concatenate3A, %mul3A : vector<1000x256xf32>
    %get3A_23 = arith.constant 0 : index
    %get3A_24 = arith.constant 0 : index
    %get3A_25 = vector.load %arg7[%get3A_23, %get3A_24] : memref<1000x256xf32, #tpu.memory_space<vmem>>, vector<1000x256xf32>
    %add3A_26 = arith.addf %mul3A_22, %get3A_25 : vector<1000x256xf32>
    %max3A_27 = arith.constant 0.000000e+00 : f32
    %max3A_28 = vector.broadcast %max3A_27 : f32 to vector<1000x256xf32>
    %max3A_29 = arith.maximumf %add3A_26, %max3A_28 : vector<1000x256xf32>
    %get3A_30 = arith.constant 0 : index
    %get3A_31 = arith.constant 0 : index
    %get3A_32 = vector.load %arg8[%get3A_30, %get3A_31] : memref<64x256xf32, #tpu.memory_space<vmem>>, vector<64x256xf32>
    %dot_general3A = arith.constant dense<0.000000e+00> : vector<1000x64xf32>
    %dot_general3A_33 = tpu.matmul %max3A_29, %get3A_32, %dot_general3A {dimension_numbers = #tpu.dot_dimension_numbers<[1], [1], [0], [0], [0, 0, 1, 0], [], []>, transpose_lhs_hint = false} : vector<1000x256xf32>, vector<64x256xf32>, vector<1000x64xf32> -> vector<1000x64xf32>
    %swap3A = arith.constant 0 : index
    %swap3A_34 = arith.constant 0 : index
    %swap3A_35 = vector.load %arg9[%swap3A, %swap3A_34] : memref<1000x64xf32, #tpu.memory_space<vmem>>, vector<1000x64xf32>
    tpu.vector_store %arg9[%swap3A, %swap3A_34], %dot_general3A_33 {strides = array<i32>} : memref<1000x64xf32, #tpu.memory_space<vmem>>, vector<1000x64xf32>,
    return
  }
  func.func @transform_0(%arg0: i32) -> (i32, i32) {
    %c0_i32 = arith.constant 0 : i32
    %c0_i32_0 = arith.constant 0 : i32
    return %arg0, %c0_i32 : i32, i32
  }
  func.func @transform_1(%arg0: i32) -> (i32, i32) {
    %c0_i32 = arith.constant 0 : i32
    %c0_i32_0 = arith.constant 0 : i32
    return %arg0, %c0_i32 : i32, i32
  }
  func.func @transform_2(%arg0: i32) -> (i32, i32) {
    %c0_i32 = arith.constant 0 : i32
    %c0_i32_0 = arith.constant 0 : i32
    return %arg0, %c0_i32 : i32, i32
  }
  func.func @transform_3(%arg0: i32) -> (i32, i32) {
    %c0_i32 = arith.constant 0 : i32
    %c0_i32_0 = arith.constant 0 : i32
    return %arg0, %c0_i32 : i32, i32
  }
  func.func @transform_4(%arg0: i32) -> (i32, i32) {
    %c0_i32 = arith.constant 0 : i32
    %c0_i32_0 = arith.constant 0 : i32
    return %arg0, %c0_i32 : i32, i32
  }
  func.func @transform_5(%arg0: i32) -> (i32, i32) {
    %c0_i32 = arith.constant 0 : i32
    %c0_i32_0 = arith.constant 0 : i32
    return %arg0, %c0_i32 : i32, i32
  }
  func.func @transform_6(%arg0: i32) -> (i32, i32) {
    %c0_i32 = arith.constant 0 : i32
    %c0_i32_0 = arith.constant 0 : i32
    return %arg0, %c0_i32 : i32, i32
  }
  func.func @transform_7(%arg0: i32) -> (i32, i32) {
    %c0_i32 = arith.constant 0 : i32
    %c0_i32_0 = arith.constant 0 : i32
    %c0_i32_1 = arith.constant 0 : i32
    return %c0_i32, %c0_i32_0 : i32, i32
  }
  func.func @transform_8(%arg0: i32) -> (i32, i32) {
    %c0_i32 = arith.constant 0 : i32
    %c0_i32_0 = arith.constant 0 : i32
    return %arg0, %c0_i32 : i32, i32
  }
}

module attributes {stable_mosaic.version = 14 : i64} {
  func.func @_tc2b_body(%arg0: i32, %arg1: memref<1000x64xf32, #tpu.memory_space<vmem>>, %arg2: memref<1000x64xf32, #tpu.memory_space<vmem>>, %arg3: memref<1000x64xf32, #tpu.memory_space<vmem>>, %arg4: memref<1000x64xf32, #tpu.memory_space<vmem>>, %arg5: memref<1000x16xf32, #tpu.memory_space<vmem>>, %arg6: memref<1000x16xf32, #tpu.memory_space<vmem>>, %arg7: memref<1000x256xf32, #tpu.memory_space<vmem>>, %arg8: memref<64x256xf32, #tpu.memory_space<vmem>>, %arg9: memref<1x64xf32, #tpu.memory_space<vmem>>, %arg10: memref<1000x64xf32, #tpu.memory_space<vmem>>) attributes {dimension_semantics = [#tpu.dimension_semantics<arbitrary>], iteration_bounds = array<i64: 10>, scalar_prefetch = 0 : i64, scratch_operands = 0 : i64, tpu.core_type = #tpu.core_type<tc>, window_params = [{transform_indices = @transform_0, window_bounds = array<i64: 1000, 64>}, {transform_indices = @transform_1, window_bounds = array<i64: 1000, 64>}, {transform_indices = @transform_2, window_bounds = array<i64: 1000, 64>}, {transform_indices = @transform_3, window_bounds = array<i64: 1000, 64>}, {transform_indices = @transform_4, window_bounds = array<i64: 1000, 16>}, {transform_indices = @transform_5, window_bounds = array<i64: 1000, 16>}, {transform_indices = @transform_6, window_bounds = array<i64: 1000, 256>}, {pipeline_mode = #tpu.pipeline_mode<synchronous>, transform_indices = @transform_7, window_bounds = array<i64: 64, 256>}, {pipeline_mode = #tpu.pipeline_mode<synchronous>, transform_indices = @transform_8, window_bounds = array<i64: 1, 64>}, {transform_indices = @transform_9, window_bounds = array<i64: 1000, 64>}]} {
    %get3A = arith.constant 0 : index
    %get3A_0 = arith.constant 0 : index
    %get3A_1 = vector.load %arg5[%get3A, %get3A_0] : memref<1000x16xf32, #tpu.memory_space<vmem>>, vector<1000x16xf32>
    %slice3A = vector.extract_strided_slice %get3A_1 {offsets = [0, 0], sizes = [1000, 1], strides = [1, 1]} : vector<1000x16xf32> to vector<1000x1xf32>
    %get3A_2 = arith.constant 0 : index
    %get3A_3 = arith.constant 0 : index
    %get3A_4 = vector.load %arg6[%get3A_2, %get3A_3] : memref<1000x16xf32, #tpu.memory_space<vmem>>, vector<1000x16xf32>
    %slice3A_5 = vector.extract_strided_slice %get3A_4 {offsets = [0, 0], sizes = [1000, 1], strides = [1, 1]} : vector<1000x16xf32> to vector<1000x1xf32>
    %add3A = arith.addf %slice3A, %slice3A_5 : vector<1000x1xf32>
    %max3A = arith.constant 1.000000e+00 : f32
    %max3A_6 = vector.broadcast %max3A : f32 to vector<1000x1xf32>
    %max3A_7 = arith.maximumf %add3A, %max3A_6 : vector<1000x1xf32>
    %div3A = arith.constant 1.000000e+00 : f32
    %div3A_8 = vector.broadcast %div3A : f32 to vector<1000x1xf32>
    %div3A_9 = arith.divf %div3A_8, %max3A_7 : vector<1000x1xf32>
    %get3A_10 = arith.constant 0 : index
    %get3A_11 = arith.constant 0 : index
    %get3A_12 = vector.load %arg1[%get3A_10, %get3A_11] : memref<1000x64xf32, #tpu.memory_space<vmem>>, vector<1000x64xf32>
    %get3A_13 = arith.constant 0 : index
    %get3A_14 = arith.constant 0 : index
    %get3A_15 = vector.load %arg2[%get3A_13, %get3A_14] : memref<1000x64xf32, #tpu.memory_space<vmem>>, vector<1000x64xf32>
    %get3A_16 = arith.constant 0 : index
    %get3A_17 = arith.constant 0 : index
    %get3A_18 = vector.load %arg3[%get3A_16, %get3A_17] : memref<1000x64xf32, #tpu.memory_space<vmem>>, vector<1000x64xf32>
    %get3A_19 = arith.constant 0 : index
    %get3A_20 = arith.constant 0 : index
    %get3A_21 = vector.load %arg4[%get3A_19, %get3A_20] : memref<1000x64xf32, #tpu.memory_space<vmem>>, vector<1000x64xf32>
    %concatenate3A = tpu.concatenate %get3A_12, %get3A_15, %get3A_18, %get3A_21 in 1 : vector<1000x64xf32>, vector<1000x64xf32>, vector<1000x64xf32>, vector<1000x64xf32> -> vector<1000x256xf32>
    %mul3A = vector.broadcast %div3A_9 : vector<1000x1xf32> to vector<1000x256xf32>
    %mul3A_22 = arith.mulf %concatenate3A, %mul3A : vector<1000x256xf32>
    %get3A_23 = arith.constant 0 : index
    %get3A_24 = arith.constant 0 : index
    %get3A_25 = vector.load %arg7[%get3A_23, %get3A_24] : memref<1000x256xf32, #tpu.memory_space<vmem>>, vector<1000x256xf32>
    %add3A_26 = arith.addf %mul3A_22, %get3A_25 : vector<1000x256xf32>
    %max3A_27 = arith.constant 0.000000e+00 : f32
    %max3A_28 = vector.broadcast %max3A_27 : f32 to vector<1000x256xf32>
    %max3A_29 = arith.maximumf %add3A_26, %max3A_28 : vector<1000x256xf32>
    %get3A_30 = arith.constant 0 : index
    %get3A_31 = arith.constant 0 : index
    %get3A_32 = vector.load %arg8[%get3A_30, %get3A_31] : memref<64x256xf32, #tpu.memory_space<vmem>>, vector<64x256xf32>
    %dot_general3A = arith.constant dense<0.000000e+00> : vector<1000x64xf32>
    %dot_general3A_33 = tpu.matmul %max3A_29, %get3A_32, %dot_general3A {dimension_numbers = #tpu.dot_dimension_numbers<[1], [1], [0], [0], [0, 0, 1, 0], [], []>, transpose_lhs_hint = false} : vector<1000x256xf32>, vector<64x256xf32>, vector<1000x64xf32> -> vector<1000x64xf32>
    %get3A_34 = arith.constant 0 : index
    %get3A_35 = arith.constant 0 : index
    %get3A_36 = vector.load %arg9[%get3A_34, %get3A_35] : memref<1x64xf32, #tpu.memory_space<vmem>>, vector<1x64xf32>
    %add3A_37 = vector.broadcast %get3A_36 : vector<1x64xf32> to vector<1000x64xf32>
    %add3A_38 = arith.addf %dot_general3A_33, %add3A_37 : vector<1000x64xf32>
    %swap3A = arith.constant 0 : index
    %swap3A_39 = arith.constant 0 : index
    %swap3A_40 = vector.load %arg10[%swap3A, %swap3A_39] : memref<1000x64xf32, #tpu.memory_space<vmem>>, vector<1000x64xf32>
    tpu.vector_store %arg10[%swap3A, %swap3A_39], %add3A_38 {strides = array<i32>} : memref<1000x64xf32, #tpu.memory_space<vmem>>, vector<1000x64xf32>,
    return
  }
  func.func @transform_0(%arg0: i32) -> (i32, i32) {
    %c0_i32 = arith.constant 0 : i32
    %c0_i32_0 = arith.constant 0 : i32
    return %arg0, %c0_i32 : i32, i32
  }
  func.func @transform_1(%arg0: i32) -> (i32, i32) {
    %c0_i32 = arith.constant 0 : i32
    %c0_i32_0 = arith.constant 0 : i32
    return %arg0, %c0_i32 : i32, i32
  }
  func.func @transform_2(%arg0: i32) -> (i32, i32) {
    %c0_i32 = arith.constant 0 : i32
    %c0_i32_0 = arith.constant 0 : i32
    return %arg0, %c0_i32 : i32, i32
  }
  func.func @transform_3(%arg0: i32) -> (i32, i32) {
    %c0_i32 = arith.constant 0 : i32
    %c0_i32_0 = arith.constant 0 : i32
    return %arg0, %c0_i32 : i32, i32
  }
  func.func @transform_4(%arg0: i32) -> (i32, i32) {
    %c0_i32 = arith.constant 0 : i32
    %c0_i32_0 = arith.constant 0 : i32
    return %arg0, %c0_i32 : i32, i32
  }
  func.func @transform_5(%arg0: i32) -> (i32, i32) {
    %c0_i32 = arith.constant 0 : i32
    %c0_i32_0 = arith.constant 0 : i32
    return %arg0, %c0_i32 : i32, i32
  }
  func.func @transform_6(%arg0: i32) -> (i32, i32) {
    %c0_i32 = arith.constant 0 : i32
    %c0_i32_0 = arith.constant 0 : i32
    return %arg0, %c0_i32 : i32, i32
  }
  func.func @transform_7(%arg0: i32) -> (i32, i32) {
    %c0_i32 = arith.constant 0 : i32
    %c0_i32_0 = arith.constant 0 : i32
    %c0_i32_1 = arith.constant 0 : i32
    return %c0_i32, %c0_i32_0 : i32, i32
  }
  func.func @transform_8(%arg0: i32) -> (i32, i32) {
    %c0_i32 = arith.constant 0 : i32
    %c0_i32_0 = arith.constant 0 : i32
    %c0_i32_1 = arith.constant 0 : i32
    return %c0_i32, %c0_i32_0 : i32, i32
  }
  func.func @transform_9(%arg0: i32) -> (i32, i32) {
    %c0_i32 = arith.constant 0 : i32
    %c0_i32_0 = arith.constant 0 : i32
    return %arg0, %c0_i32 : i32, i32
  }
}

module attributes {stable_mosaic.version = 14 : i64} {
  func.func @_tc3_body(%arg0: i32, %arg1: memref<400x64xf32, #tpu.memory_space<vmem>>, %arg2: memref<400x64xf32, #tpu.memory_space<vmem>>, %arg3: memref<400x16xf32, #tpu.memory_space<vmem>>, %arg4: memref<400x16xf32, #tpu.memory_space<vmem>>, %arg5: memref<400x64xf32, #tpu.memory_space<vmem>>, %arg6: memref<400x64xf32, #tpu.memory_space<vmem>>) attributes {dimension_semantics = [#tpu.dimension_semantics<arbitrary>], iteration_bounds = array<i64: 25>, scalar_prefetch = 0 : i64, scratch_operands = 0 : i64, tpu.core_type = #tpu.core_type<tc>, window_params = [{transform_indices = @transform_0, window_bounds = array<i64: 400, 64>}, {transform_indices = @transform_1, window_bounds = array<i64: 400, 64>}, {transform_indices = @transform_2, window_bounds = array<i64: 400, 16>}, {transform_indices = @transform_3, window_bounds = array<i64: 400, 16>}, {transform_indices = @transform_4, window_bounds = array<i64: 400, 64>}, {transform_indices = @transform_5, window_bounds = array<i64: 400, 64>}]} {
    %get3A = arith.constant 0 : index
    %get3A_0 = arith.constant 0 : index
    %get3A_1 = vector.load %arg3[%get3A, %get3A_0] : memref<400x16xf32, #tpu.memory_space<vmem>>, vector<400x16xf32>
    %slice3A = vector.extract_strided_slice %get3A_1 {offsets = [0, 0], sizes = [400, 1], strides = [1, 1]} : vector<400x16xf32> to vector<400x1xf32>
    %get3A_2 = arith.constant 0 : index
    %get3A_3 = arith.constant 0 : index
    %get3A_4 = vector.load %arg4[%get3A_2, %get3A_3] : memref<400x16xf32, #tpu.memory_space<vmem>>, vector<400x16xf32>
    %slice3A_5 = vector.extract_strided_slice %get3A_4 {offsets = [0, 0], sizes = [400, 1], strides = [1, 1]} : vector<400x16xf32> to vector<400x1xf32>
    %add3A = arith.addf %slice3A, %slice3A_5 : vector<400x1xf32>
    %max3A = arith.constant 1.000000e+00 : f32
    %max3A_6 = vector.broadcast %max3A : f32 to vector<400x1xf32>
    %max3A_7 = arith.maximumf %add3A, %max3A_6 : vector<400x1xf32>
    %div3A = arith.constant 1.000000e+00 : f32
    %div3A_8 = vector.broadcast %div3A : f32 to vector<400x1xf32>
    %div3A_9 = arith.divf %div3A_8, %max3A_7 : vector<400x1xf32>
    %get3A_10 = arith.constant 0 : index
    %get3A_11 = arith.constant 0 : index
    %get3A_12 = vector.load %arg1[%get3A_10, %get3A_11] : memref<400x64xf32, #tpu.memory_space<vmem>>, vector<400x64xf32>
    %get3A_13 = arith.constant 0 : index
    %get3A_14 = arith.constant 0 : index
    %get3A_15 = vector.load %arg2[%get3A_13, %get3A_14] : memref<400x64xf32, #tpu.memory_space<vmem>>, vector<400x64xf32>
    %add3A_16 = arith.addf %get3A_12, %get3A_15 : vector<400x64xf32>
    %mul3A = vector.broadcast %div3A_9 : vector<400x1xf32> to vector<400x64xf32>
    %mul3A_17 = arith.mulf %add3A_16, %mul3A : vector<400x64xf32>
    %get3A_18 = arith.constant 0 : index
    %get3A_19 = arith.constant 0 : index
    %get3A_20 = vector.load %arg5[%get3A_18, %get3A_19] : memref<400x64xf32, #tpu.memory_space<vmem>>, vector<400x64xf32>
    %add3A_21 = arith.addf %mul3A_17, %get3A_20 : vector<400x64xf32>
    %swap3A = arith.constant 0 : index
    %swap3A_22 = arith.constant 0 : index
    %swap3A_23 = vector.load %arg6[%swap3A, %swap3A_22] : memref<400x64xf32, #tpu.memory_space<vmem>>, vector<400x64xf32>
    tpu.vector_store %arg6[%swap3A, %swap3A_22], %add3A_21 {strides = array<i32>} : memref<400x64xf32, #tpu.memory_space<vmem>>, vector<400x64xf32>,
    return
  }
  func.func @transform_0(%arg0: i32) -> (i32, i32) {
    %c0_i32 = arith.constant 0 : i32
    %c0_i32_0 = arith.constant 0 : i32
    return %arg0, %c0_i32 : i32, i32
  }
  func.func @transform_1(%arg0: i32) -> (i32, i32) {
    %c0_i32 = arith.constant 0 : i32
    %c0_i32_0 = arith.constant 0 : i32
    return %arg0, %c0_i32 : i32, i32
  }
  func.func @transform_2(%arg0: i32) -> (i32, i32) {
    %c0_i32 = arith.constant 0 : i32
    %c0_i32_0 = arith.constant 0 : i32
    return %arg0, %c0_i32 : i32, i32
  }
  func.func @transform_3(%arg0: i32) -> (i32, i32) {
    %c0_i32 = arith.constant 0 : i32
    %c0_i32_0 = arith.constant 0 : i32
    return %arg0, %c0_i32 : i32, i32
  }
  func.func @transform_4(%arg0: i32) -> (i32, i32) {
    %c0_i32 = arith.constant 0 : i32
    %c0_i32_0 = arith.constant 0 : i32
    return %arg0, %c0_i32 : i32, i32
  }
  func.func @transform_5(%arg0: i32) -> (i32, i32) {
    %c0_i32 = arith.constant 0 : i32
    %c0_i32_0 = arith.constant 0 : i32
    return %arg0, %c0_i32 : i32, i32
  }
}

</mosaic_0001>

<sc_bundles>
// kernel: kernel.12.cloned.1.call-start
scs
__scs_entry_jumppad:
0x0: {  	(pc) =	sbr.rel $0x88, $3  }
0x1: {  	(tag) =	ssettag $0x0;
	lr =	simm.s32 $0x1  }
0x2: {  	[smem:$0x3F99] =	sst lr;
	_ =	strace $0xD0000000  }
0x3: {  	_ = 	snop  }
0x4: {  	_ = 	snop  }
0x5: {  	_ = 	snop  }
0x6: {  	_ = 	snop  }
0x7: {  	_ = 	snop  }
__scs_overlays_trampoline_lowered:
0x8: {  	[smem:$0x3FA8] =	sst s0  }
0x9: {  	[smem:$0x3FA9] =	sst s1  }
0xa: {  	[smem:$0x3FAA] =	sst s2  }
0xb: {  	[smem:$0x3FAB] =	sst s3  }
0xc: {  	[smem:$0x3FAC] =	sst s4  }
0xd: {  	[smem:$0x3FAD] =	sst s5  }
0xe: {  	[smem:$0x3FAE] =	sst s6  }
0xf: {  	[smem:$0x3FAF] =	sst s7  }
0x10: {  	[smem:$0x3FB0] =	sst s8  }
0x11: {  	[smem:$0x3FB1] =	sst s9;
	s0 =	simm.s32 @!p0 $0x0  }
0x12: {  	s1 =	sld [smem:$0x3F97];
	s0 =	simm.s32 @p0 $0x1  }
0x13: {  	[smem:$0x3FB2] =	sst s0;
	s0 =	simm.s32 @!p1 $0x0  }
0x14: {  	s2 =	sld [smem:$0x3F96];
	s0 =	simm.s32 @p1 $0x1  }
0x15: {  	[smem:$0x3FB3] =	sst s0;
	s0 =	simm.s32 @!p2 $0x0  }
0x16: {  	s3 =	sld [smem:$0x3FDB];
	s0 =	simm.s32 @p2 $0x1  }
0x17: {  	s4 =	simm.s32 $0x1BF5;
	[smem:$0x3FB5] =	sst s0  }
0x18: {  	s0 =	sld [smem:$0x3F98];
	_ =	swait.ge [sflag:s4], $0x0  }
0x19: {  	s7 =	sld [smem:$0x3F99]  }
0x1a: {  	s8 =	sadd.s32 $0xFFFFE003, lr  }
0x1b: {  	s9 =	sadd.s32 $0xFFFFFEF7, lr;
	s5 =	simm.s32 $0xFFFFFFFF;
	p2 =	slt.u32 s8, $0xFFFFF086  }
0x1c: {  	p1 =	slt.u32 s9, $0xF7A;
	s5 =	simm.s32 @!p2 $0x0  }
0x1d: {  	s5 =	simm.s32 @p1 $0x1;
	p0 =	seq.s32 s7, s2  }
0x1e: {  	s7 =	smul.u32 @!p0 $0xF7A, s2;
	p2 =	seq.s32 @!p0 s5, $0x0  }
0x1f: {  	s9 =	smul.u32 $0xF7A, s1;
	s8 =	simm.s32 @!p0 $0x1BF5;
	p2 =	por !p2, p0  }
0x20: {  	[sflag:s8] =	ssyncset.s32 @!p0 $0xFFFFF086;
	s6 =	sadd.s32 @!p0 s3, s7;
	s7 =	simm.s32 @!p0 $0x108  }
0x21: {  	s3 =	sadd.s32 s3, s9;
	s6 =	sadd.s32 @!p0 $0x88, s6;
	s7 =	simm.s32 @p2 $0x1082  }
0x22: {  	[simem:s7], [sflag:s8] =	dma.local @!p0 [hbm:s6], $0xF7A  }
0x23: {  	s9 =	sor.u32 $0xD0000000, s2;
	s6 =	simm.s32 $0x108;
	_ =	swait.ge @!p0 [sflag:s8], $0x0  }
0x24: {  	s3 =	sadd.s32 $0x88, s3;
	s6 =	simm.s32 @!p1 $0x1082;
	[sflag:s4] =	ssyncset.s32 $0xFFFFF086  }
0x25: {  	[simem:s6], [sflag:s4] =	dma.local [hbm:s3], $0xF7A  }
0x26: {  	[smem:$0x3F99] =	sst s1;
	(tag) =	ssettag s2;
	_ =	strace s9  }
0x27: {  	s1 =	sld [smem:$0x3FA9]  }
0x28: {  	s2 =	sld [smem:$0x3FAA]  }
0x29: {  	s4 =	sld [smem:$0x3FAC]  }
0x2a: {  	p0 =	seq.s32 s5, $0x0;
	s5 =	sld [smem:$0x3FAD]  }
0x2b: {  	s6 =	sld [smem:$0x3FAE]  }
0x2c: {  	s7 =	sld [smem:$0x3FAF]  }
0x2d: {  	s3 =	simm.s32 $0x108;
	s8 =	sld [smem:$0x3FB0]  }
0x2e: {  	s3 =	simm.s32 @!p0 $0x1082;
	s9 =	sld [smem:$0x3FB1]  }
0x2f: {  	lr =	sadd.s32 s0, s3;
	s0 =	sld [smem:$0x3FA8]  }
0x30: {  	s3 =	sld [smem:$0x3FAB]  }
0x31: {  	[smem:$0x3FB4] =	sst s10  }
0x32: {  	s10 =	sld [smem:$0x3FB2];
	_ =	sdelay $0x3  }
0x33: {  	p0 =	seq.s32 s10, $0x1;
	s10 =	sld [smem:$0x3FB4];
	_ =	sdelay $0x3  }
0x34: {  	[smem:$0x3FB4] =	sst s10  }
0x35: {  	s10 =	sld [smem:$0x3FB3];
	_ =	sdelay $0x3  }
0x36: {  	p1 =	seq.s32 s10, $0x1;
	s10 =	sld [smem:$0x3FB4];
	_ =	sdelay $0x3  }
0x37: {  	[smem:$0x3FB4] =	sst s10  }
0x38: {  	s10 =	sld [smem:$0x3FB5]  }
0x39: {  	_ = 	snop;
	(pc) =	sbr.ind lr, $3  }
0x3a: {  	_ = 	snop  }
0x3b: {  	_ = 	snop  }
0x3c: {  	p2 =	seq.s32 s10, $0x1;
	s10 =	sld [smem:$0x3FB4]  }
0x3d: {  	_ =	shalt  }
0x3e: {  	_ =	shalt  }
0x3f: {  	_ =	shalt  }
0x40: {  	_ =	shalt  }
0x41: {  	_ =	shalt  }
0x42: {  	_ =	shalt  }
0x43: {  	_ =	shalt  }
0x44: {  	_ =	shalt  }
0x45: {  	_ =	shalt  }
0x46: {  	_ =	shalt  }
0x47: {  	_ =	shalt  }
0x48: {  	_ =	shalt  }
0x49: {  	_ =	shalt  }
0x4a: {  	_ =	shalt  }
0x4b: {  	_ =	shalt  }
0x4c: {  	_ =	shalt  }
0x4d: {  	_ =	shalt  }
0x4e: {  	_ =	shalt  }
0x4f: {  	_ =	shalt  }
0x50: {  	_ =	shalt  }
0x51: {  	_ =	shalt  }
0x52: {  	_ =	shalt  }
0x53: {  	_ =	shalt  }
0x54: {  	_ =	shalt  }
0x55: {  	_ =	shalt  }
0x56: {  	_ =	shalt  }
0x57: {  	_ =	shalt  }
0x58: {  	_ =	shalt  }
0x59: {  	_ =	shalt  }
0x5a: {  	_ =	shalt  }
0x5b: {  	_ =	shalt  }
0x5c: {  	_ =	shalt  }
0x5d: {  	_ =	shalt  }
0x5e: {  	_ =	shalt  }
0x5f: {  	_ =	shalt  }
0x60: {  	_ =	shalt  }
0x61: {  	_ =	shalt  }
0x62: {  	_ =	shalt  }
0x63: {  	_ =	shalt  }
0x64: {  	_ =	shalt  }
0x65: {  	_ =	shalt  }
0x66: {  	_ =	shalt  }
0x67: {  	_ =	shalt  }
0x68: {  	_ =	shalt  }
0x69: {  	_ =	shalt  }
0x6a: {  	_ =	shalt  }
0x6b: {  	_ =	shalt  }
0x6c: {  	_ =	shalt  }
0x6d: {  	_ =	shalt  }
0x6e: {  	_ =	shalt  }
0x6f: {  	_ =	shalt  }
0x70: {  	_ =	shalt  }
0x71: {  	_ =	shalt  }
0x72: {  	_ =	shalt  }
0x73: {  	_ =	shalt  }
0x74: {  	_ =	shalt  }
0x75: {  	_ =	shalt  }
0x76: {  	_ =	shalt  }
0x77: {  	_ =	shalt  }
0x78: {  	_ =	shalt  }
0x79: {  	_ =	shalt  }
0x7a: {  	_ =	shalt  }
0x7b: {  	_ =	shalt  }
0x7c: {  	_ =	shalt  }
0x7d: {  	_ =	shalt  }
0x7e: {  	_ =	shalt  }
0x7f: {  	_ =	shalt  }
0x80: {  	_ =	shalt  }
0x81: {  	_ =	shalt  }
0x82: {  	_ =	shalt  }
0x83: {  	_ =	shalt  }
0x84: {  	_ =	shalt  }
0x85: {  	_ =	shalt  }
0x86: {  	_ =	shalt  }
0x87: {  	_ =	shalt  }
.Lfunc_end0:
.L_simem_size_0:
called_computation.1_lowered:
.L_overlay_start_0:
0x88: {  	s2 =	sld [smem:$0x3FD9]  }
0x89: {  	s3 =	sld [smem:$0x3FFE];
	_ =	sdelay $0x1  }
0x8a: {  	s1 =	srdreg.scid  }
0x8b: {  	s0 =	sand.u32 $0x1, s1  }
0x8c: {  	s17 =	sshll.u32 s0, $0xA;
	s2 =	sadd.s32 s3, s2  }
0x8d: {  	s2 =	sadd.s32 s2, s17  }
0x8e: {  	[smem:$0x3FC0] =	sst s2  }
0x8f: {  	_ = 	snop  }
0x90: {  	s2 =	sld [smem:$0x3FD0];
	(tm) =	ssettm $0x1  }
0x91: {  	s18 =	sld [smem:$0x3FFB];
	_ =	sdelay $0x3  }
0x92: {  	_ =	strace s18  }
0x93: {  	s3 =	sld [smem:$0x3FFC];
	_ =	sdelay $0x3  }
0x94: {  	_ =	strace s3  }
0x95: {  	s3 =	sld [smem:$0x3FFD];
	_ =	sdelay $0x3  }
0x96: {  	_ =	strace s3  }
0x97: {  	_ =	strace $0x8FFFFFFF  }
0x98: {  	s19 =	sld [smem:$0x3FDB];
	_ =	sdelay $0x1  }
0x99: {  	s4 =	simm.s32 $_scs_section_size  }
0x9a: {  	s5 =	simm.s32 $_size__tile_overlayer_lowered;
	s6 =	simm.s32 $_tile_overlayer_lowered  }
0x9b: {  	s22 =	simm.s32 $0x1BFF;
	s21 =	sshll.u32 s6, $0x1;
	s3 =	sadd.s32 s4, s19  }
0x9c: {  	s7 =	simm.s32 $0x0;
	s20 =	sshll.u32 s5, $0x1;
	s5 =	sadd.s32 s21, s3  }
0x9d: {  	[timem:s7], [sflag:s22] =	dma.local [hbm:s5], s20  }
0x9e: {  	_ =	swait.ge [sflag:s22], s20  }
0x9f: {  	s4 =	ssub.s32 $0x0, s20;
	[sflag:s22] =	ssyncset.done $0x0  }
0xa0: {  	[sflag:s22] =	ssyncadd.s32 s4;
	_ =	sdelay $0x1  }
0xa1: {  	s23 =	simm.s32 $0x1B8B  }
0xa2: {  	_ =	swait.ge [sflag:s23], $0x1  }
0xa3: {  	[sflag:s23] =	ssyncset.done $0x0  }
0xa4: {  	s25 =	simm.s32 $0x1B8E;
	s24 =	sld [smem:$0x3FFE];
	[sflag:s23] =	ssyncadd.s32 $0xFFFFFFFF  }
0xa5: {  	s26 =	simm.s32 $execute0_lowered;
	[smem:$0x3FD2] =	sst s25  }
0xa6: {  	s5 =	sshll.u32 s26, $0x1;
	_ =	strace $0x80000049;
	[dreg:$0x1] =	wrdreg $0xFFFFFFFF  }
0xa7: {  	s28 =	simm.s32 $_size_execute0_lowered;
	s3 =	sadd.s32 s3, s5;
	[dreg:$0x0] =	wrdreg $0x0  }
0xa8: {  	s5 =	sshll.u32 s28, $0x1;
	[dreg:$0x2] =	wrdreg s3  }
0xa9: {  	[dreg:$0x3] =	wrdreg s5  }
0xaa: {  	[dreg:$0x4] =	wrdreg $0xC0  }
0xab: {  	_ =	task [dreg:s7], $0x5FFFF  }
0xac: {  	[dreg:$0x1] =	wrdreg $0xFFFFFFFF  }
0xad: {  	[dreg:$0x0] =	wrdreg $0x60  }
0xae: {  	[dreg:$0x2] =	wrdreg s2  }
0xaf: {  	[dreg:$0x3] =	wrdreg s24  }
0xb0: {  	[dreg:$0x4] =	wrdreg $0x68000  }
0xb1: {  	[dreg:$0x5] =	wrdreg $0x9  }
0xb2: {  	_ =	task.clear_ibuf [dreg:s7], $0x6FFFF;
	_ =	strace $0x90000049  }
0xb3: {  	s29 =	simm.s32 $0x9;
	_ =	strace $0x8000004B  }
0xb4: {  	_ =	swait.ge [sflag:s29], $0x1  }
0xb5: {  	[sflag:s29] =	ssyncadd.s32 $0xFFFFFFFF  }
0xb6: {  	_ =	strace $0x9000004B  }
0xb7: {  	_ =	sfence  }
0xb8: {  	s30 =	sld [smem:$0x0];
	_ =	sdelay $0x2  }
0xb9: {  	s31 =	sshll.u32 s1, $0xD;
	s1 =	sshrl.u32 s1, $0x2  }
0xba: {  	s3 =	sand.u32 $0x4000, s31;
	s1 =	sadd.s32 s1, s30  }
0xbb: {  	s0 =	sor.u32 s3, s0;
	s1 =	sshll.u32 s1, $0x11  }
0xbc: {  	s0 =	sor.u32 s1, s0  }
0xbd: {  	s0 =	sadd.s32 $0x8F2B, s0  }
0xbe: {  	[sflag:s0] =	ssyncadd.remote.s32 $0x1  }
0xbf: {  	_ =	sfence.sel $0xFFFF  }
0xc0: {  	[dreg:$0x0] =	wrdreg $0xFFFFFFFF;
	(pc) =	sbr.abs _section_cstart, $3  }
0xc1: {  	[dreg:$0x1] =	wrdreg $0xFFFFFFFF  }
0xc2: {  	_ =	task.clear_ibuf [dreg:s7], $0x2FFFF;
	_ =	strace $0x9FFFFFFF  }
0xc3: {  	(tm) =	ssettm $0x7FFFFFFF  }
tec
execute0_lowered:
.L_overlay_start_1:
0x0: {  	(tag) =	ssettag $0x1  }
0x1: {  	s1 =	rddreg [dreg:$0x0]  }
0x2: {  	s9 =	rddreg [dreg:$0x1]  }
0x3: {  	s0 =	srdreg.scid;
	s3 =	rddreg [dreg:$0x2]  }
0x4: {  	s4 =	simm.s32 $0x0;
	s12 =	simm.s32 $0xF1E00;
	s14 =	simm.s32 $0x80  }
0x5: {  	s15 =	simm.s32 $0x2800;
	s16 =	simm.s32 $0x1;
	s17 =	simm.s32 $0x4800  }
0x6: {  	s18 =	simm.s32 $0x2;
	s19 =	simm.s32 $0x1380;
	s20 =	simm.s32 $0x2700  }
0x7: {  	s21 =	simm.s32 $0x2780;
	s22 =	simm.s32 $0x0;
	s7 =	sand.u32 $0x1, s0  }
0x8: {  	s0 =	stileid.u32;
	[smem:$0x7FF] =	sst s4;
	s2 =	sshll.u32 s7, $0x4  }
0x9: {  	s6 =	ssub.s32 $0x2, s7;
	s11 =	smul.u32 $0xA000, s0;
	p0 =	seq.s32 s7, $0x1  }
0xa: {  	s31 =	sshll.u32 s0, $0x6;
	s5 =	sor.u32 s0, s2;
	s2 =	rddreg [dreg:$0x3]  }
0xb: {  	_ =	strace $0x8000004A;
	s10 =	sshrl.u32 s6, $0x1;
	s5 =	smul.u32 $0x280, s5  }
0xc: {  	s12 =	simm.s32 @!p0 $0x105E00;
	s10 =	ssub.s32 s6, s10;
	s13 =	sadd.s32 s11, s3  }
0xd: {  	s11 =	sshrl.u32 s11, $0x3;
	s13 =	sshrl.u32 s13, $0x3;
	s8 =	sadd.s32 s5, s9  }
0xe: {  	s5 =	sadd.s32 $0x48800, s9;
	s9 =	sadd.s32 s12, s9;
	s12 =	sor.u32 $0x1C03, s31  }
0xf: {  	s6 =	sadd.s32 $0x3E200, s8;
	s7 =	sadd.s32 $0x43200, s8;
	s8 =	smax.u32 s10, $0x1  }
0x10: {  	s9 =	sadd.s32 s9, s11;
	s10 =	simm.s32 $0x3;
	s11 =	simm.s32 $0x1400  }
.LBB2_1:
0x11: {  	[tilespmem:s4], [sflag:$0x3] =	stream.linear.gather [hbm4b:s6+s4], $0x1400, $0x38;
	[tilespmem:$0x10800] =	vst v63  }
0x12: {  	_ =	swait.ge [sflag:s10], $0x1400  }
0x13: {  	[sflag:s10] =	ssyncset.done $0x0  }
0x14: {  	[sflag:s10] =	ssyncadd.s32 $0xFFFFEC00  }
0x15: {  	[tilespmem:s11], [sflag:$0x3] =	stream.linear.gather [hbm4b:s7+s4], $0x1400, $0x38;
	[tilespmem:$0x10800] =	vst v63  }
0x16: {  	_ =	swait.ge [sflag:s10], $0x1400  }
0x17: {  	[sflag:s10] =	ssyncset.done $0x0  }
0x18: {  	[sflag:s10] =	ssyncadd.s32 $0xFFFFEC00  }
0x19: {  	[spmem:s13], [sflag:s12] =	dma.local [hbm:s5], $0x1400  }
0x1a: {  	_ =	swait.ge [sflag:s10], $0x1400  }
0x1b: {  	[sflag:s10] =	ssyncset.done $0x0  }
0x1c: {  	[sflag:s10] =	ssyncadd.s32 $0xFFFFEC00  }
0x1d: {  	[bflag:$0x0] =	sbarrier.arrive $0xFFFF  }
0x1e: {  	[tilespmem:s15], [sflag:$0x1] =	stream.indirect.gather [hbm4b:s1+s14], $0x40, s4, s14, $0xb8;
	[tilespmem:$0x10800] =	vst v63  }
0x1f: {  	_ =	swait.ge [sflag:s16], $0x2000  }
0x20: {  	[sflag:s16] =	ssyncset.done $0x0  }
0x21: {  	s23 =	simm.s32 $0x80;
	[sflag:s16] =	ssyncadd.s32 $0xFFFFE000  }
0x22: {  	[tilespmem:s17], [sflag:$0x2] =	stream.indirect.gather [hbm4b:s1+s14], $0x40, s23, s14, $0xb8;
	[tilespmem:$0x10800] =	vst v63  }
0x23: {  	s29 =	simm.s32 $0x1400  }
0x24: {  	[spmem:s3] =	stream.indirect.scatter.add.f32 [tilespmem:s15], [sflag:$0x3], $0x40, s29, s14, $0xb8;
	[tilespmem:$0x10800] =	vst v63  }
0x25: {  	_ =	swait.ge [sflag:s10], $0x2000  }
0x26: {  	[sflag:s10] =	ssyncset.done $0x0  }
0x27: {  	[sflag:s10] =	ssyncadd.s32 $0xFFFFE000  }
0x28: {  	_ =	swait.ge [sflag:s18], $0x2000  }
0x29: {  	[sflag:s18] =	ssyncset.done $0x0  }
0x2a: {  	s30 =	simm.s32 $0x100;
	[sflag:s18] =	ssyncadd.s32 $0xFFFFE000  }
0x2b: {  	[tilespmem:s15], [sflag:$0x1] =	stream.indirect.gather [hbm4b:s1+s14], $0x40, s30, s14, $0xb8;
	[tilespmem:$0x10800] =	vst v63  }
0x2c: {  	s31 =	simm.s32 $0x1480  }
0x2d: {  	[spmem:s3] =	stream.indirect.scatter.add.f32 [tilespmem:s17], [sflag:$0x3], $0x40, s31, s14, $0xb8;
	[tilespmem:$0x10800] =	vst v63  }
0x2e: {  	_ =	swait.ge [sflag:s10], $0x2000  }
0x2f: {  	s23 =	simm.s32 $0x400;
	[sflag:s10] =	ssyncset.done $0x0  }
.LBB2_2:
0x30: {  	p0 =	sne.s32 s23, $0x4800  }
0x31: {  	[sflag:s10] =	ssyncadd.s32 $0xFFFFE000;
	s24 =	smov.u32 s23;
	s23 =	sadd.s32 $0x400, s23  }
0x32: {  	_ = 	snop  }
0x33: {  	_ =	swait.ge [sflag:s16], $0x2000  }
0x34: {  	s24 =	sshra.s32 s24, $0x2;
	[sflag:s16] =	ssyncset.done $0x0  }
0x35: {  	s25 =	sadd.s32 $0x80, s24;
	[sflag:s16] =	ssyncadd.s32 $0xFFFFE000  }
0x36: {  	[tilespmem:s17], [sflag:$0x2] =	stream.indirect.gather [hbm4b:s1+s14], $0x40, s25, s14, $0xb8;
	[tilespmem:$0x10800] =	vst v63  }
0x37: {  	s25 =	sadd.s32 $0x1400, s24  }
0x38: {  	[spmem:s3] =	stream.indirect.scatter.add.f32 [tilespmem:s15], [sflag:$0x3], $0x40, s25, s14, $0xb8;
	[tilespmem:$0x10800] =	vst v63  }
0x39: {  	_ =	swait.ge [sflag:s10], $0x2000  }
0x3a: {  	[sflag:s10] =	ssyncset.done $0x0  }
0x3b: {  	[sflag:s10] =	ssyncadd.s32 $0xFFFFE000  }
0x3c: {  	_ =	swait.ge [sflag:s18], $0x2000  }
0x3d: {  	[sflag:s18] =	ssyncset.done $0x0  }
0x3e: {  	s25 =	sadd.s32 $0x100, s24;
	[sflag:s18] =	ssyncadd.s32 $0xFFFFE000  }
0x3f: {  	[tilespmem:s15], [sflag:$0x1] =	stream.indirect.gather [hbm4b:s1+s14], $0x40, s25, s14, $0xb8;
	[tilespmem:$0x10800] =	vst v63  }
.Ltmp0:
0x40: {  	_ = 	snop;
	(pc) =	sbr.rel @p0 .LBB2_2-.Ltmp0, $4  }
0x41: {  	s24 =	sadd.s32 $0x1480, s24  }
0x42: {  	[spmem:s3] =	stream.indirect.scatter.add.f32 [tilespmem:s17], [sflag:$0x3], $0x40, s24, s14, $0xb8;
	[tilespmem:$0x10800] =	vst v63  }
0x43: {  	_ =	swait.ge [sflag:s10], $0x2000  }
0x44: {  	[sflag:s10] =	ssyncset.done $0x0  }
0x45: {  	[sflag:s10] =	ssyncadd.s32 $0xFFFFE000  }
0x46: {  	_ =	swait.ge [sflag:s16], $0x2000  }
0x47: {  	[sflag:s16] =	ssyncset.done $0x0  }
0x48: {  	[sflag:s16] =	ssyncadd.s32 $0xFFFFE000  }
0x49: {  	[tilespmem:s17], [sflag:$0x2] =	stream.indirect.gather [hbm4b:s1+s14], $0x40, s19, s14, $0xb8;
	[tilespmem:$0x10800] =	vst v63  }
0x4a: {  	_ = 	snop  }
0x4b: {  	[spmem:s3] =	stream.indirect.scatter.add.f32 [tilespmem:s15], [sflag:$0x3], $0x40, s20, s14, $0xb8;
	[tilespmem:$0x10800] =	vst v63  }
0x4c: {  	_ =	swait.ge [sflag:s10], $0x2000  }
0x4d: {  	[sflag:s10] =	ssyncset.done $0x0  }
0x4e: {  	[sflag:s10] =	ssyncadd.s32 $0xFFFFE000  }
0x4f: {  	_ =	swait.ge [sflag:s18], $0x2000  }
0x50: {  	[sflag:s18] =	ssyncset.done $0x0  }
0x51: {  	[sflag:s18] =	ssyncadd.s32 $0xFFFFE000  }
0x52: {  	[spmem:s3] =	stream.indirect.scatter.add.f32 [tilespmem:s17], [sflag:$0x3], $0x40, s21, s14, $0xb8;
	[tilespmem:$0x10800] =	vst v63  }
0x53: {  	_ =	swait.ge [sflag:s10], $0x2000  }
0x54: {  	s22 =	sadd.s32 $0x1, s22;
	[sflag:s10] =	ssyncset.done $0x0  }
0x55: {  	p0 =	sne.s32 s22, s8;
	[sflag:s10] =	ssyncadd.s32 $0xFFFFE000  }
.Ltmp1:
0x56: {  	[bflag:$0x0] =	sbarrier.arrive $0xFFFF;
	(pc) =	sbr.rel @p0 .LBB2_1-.Ltmp1, $4  }
0x57: {  	[hbm:s9], [sflag:s12] =	dma.local [spmem:s13], $0x1400  }
0x58: {  	_ =	swait.ge [sflag:s10], $0x1400  }
0x59: {  	[sflag:s10] =	ssyncset.done $0x0  }
0x5a: {  	[sflag:s10] =	ssyncadd.s32 $0xFFFFEC00  }
0x5b: {  	_ =	sfence.sel $0x180000  }
0x5c: {  	[bflag:$0x0] =	sbarrier.arrive $0xFFFF  }
0x5d: {  	p0 =	sne.s32 s0, $0x0;
	_ =	strace $0x9000004A  }
0x5e: {  	s0 =	sadd.s32 @!p0 $0x100000, s2;
	[bflag:$0x2] =	sbarrier.arrive $0xFFFF  }
0x5f: {  	[sflag:s0] =	ssyncadd.tile.s32 @!p0 $0x1;
	_ =	shalt  }
.Lfunc_end2:
_tile_overlayer_lowered:
.L_overlay_start_2:
0x60: {  	(tag) =	ssettag $0x2  }
0x61: {  	s0 =	rddreg [dreg:$0x0];
	s2 =	stileid.u32  }
0x62: {  	s1 =	rddreg [dreg:$0x1];
	p0 =	sne.s32 s2, $0x0  }
0x63: {  	s3 =	rddreg [dreg:$0x2];
	[bflag:$0x3] =	sbarrier.arrive $0xFFFF;
	s2 =	simm.s32 @!p0 $0x1C03  }
0x64: {  	[timem:s3], [sflag:s2] =	dma.local @!p0 [hbm:s0], s1  }
0x65: {  	s0 =	simm.s32 @!p0 $0x3  }
0x66: {  	_ =	swait.ge @!p0 [sflag:s0], s1  }
0x67: {  	s1 =	ssub.s32 @!p0 $0x0, s1;
	[sflag:s0] =	ssyncset.done @!p0 $0x0  }
0x68: {  	[sflag:s0] =	ssyncadd.s32 @!p0 s1  }
0x69: {  	[bflag:$0x3] =	sbarrier.arrive $0xFFFF  }
0x6a: {  	_ =	shalt  }

// kernel: kernel.9.cloned.1.call-start
scs
__scs_entry_jumppad:
0x0: {  	(pc) =	sbr.rel $0x88, $3  }
0x1: {  	(tag) =	ssettag $0x0;
	lr =	simm.s32 $0x1  }
0x2: {  	[smem:$0x3F99] =	sst lr;
	_ =	strace $0xD0000000  }
0x3: {  	_ = 	snop  }
0x4: {  	_ = 	snop  }
0x5: {  	_ = 	snop  }
0x6: {  	_ = 	snop  }
0x7: {  	_ = 	snop  }
__scs_overlays_trampoline_lowered:
0x8: {  	[smem:$0x3FA8] =	sst s0  }
0x9: {  	[smem:$0x3FA9] =	sst s1  }
0xa: {  	[smem:$0x3FAA] =	sst s2  }
0xb: {  	[smem:$0x3FAB] =	sst s3  }
0xc: {  	[smem:$0x3FAC] =	sst s4  }
0xd: {  	[smem:$0x3FAD] =	sst s5  }
0xe: {  	[smem:$0x3FAE] =	sst s6  }
0xf: {  	[smem:$0x3FAF] =	sst s7  }
0x10: {  	[smem:$0x3FB0] =	sst s8  }
0x11: {  	[smem:$0x3FB1] =	sst s9;
	s0 =	simm.s32 @!p0 $0x0  }
0x12: {  	s1 =	sld [smem:$0x3F97];
	s0 =	simm.s32 @p0 $0x1  }
0x13: {  	[smem:$0x3FB2] =	sst s0;
	s0 =	simm.s32 @!p1 $0x0  }
0x14: {  	s2 =	sld [smem:$0x3F96];
	s0 =	simm.s32 @p1 $0x1  }
0x15: {  	[smem:$0x3FB3] =	sst s0;
	s0 =	simm.s32 @!p2 $0x0  }
0x16: {  	s3 =	sld [smem:$0x3FDB];
	s0 =	simm.s32 @p2 $0x1  }
0x17: {  	s4 =	simm.s32 $0x1BF5;
	[smem:$0x3FB5] =	sst s0  }
0x18: {  	s0 =	sld [smem:$0x3F98];
	_ =	swait.ge [sflag:s4], $0x0  }
0x19: {  	s7 =	sld [smem:$0x3F99]  }
0x1a: {  	s8 =	sadd.s32 $0xFFFFE003, lr  }
0x1b: {  	s9 =	sadd.s32 $0xFFFFFEF7, lr;
	s5 =	simm.s32 $0xFFFFFFFF;
	p2 =	slt.u32 s8, $0xFFFFF086  }
0x1c: {  	p1 =	slt.u32 s9, $0xF7A;
	s5 =	simm.s32 @!p2 $0x0  }
0x1d: {  	s5 =	simm.s32 @p1 $0x1;
	p0 =	seq.s32 s7, s2  }
0x1e: {  	s7 =	smul.u32 @!p0 $0xF7A, s2;
	p2 =	seq.s32 @!p0 s5, $0x0  }
0x1f: {  	s9 =	smul.u32 $0xF7A, s1;
	s8 =	simm.s32 @!p0 $0x1BF5;
	p2 =	por !p2, p0  }
0x20: {  	[sflag:s8] =	ssyncset.s32 @!p0 $0xFFFFF086;
	s6 =	sadd.s32 @!p0 s3, s7;
	s7 =	simm.s32 @!p0 $0x108  }
0x21: {  	s3 =	sadd.s32 s3, s9;
	s6 =	sadd.s32 @!p0 $0x88, s6;
	s7 =	simm.s32 @p2 $0x1082  }
0x22: {  	[simem:s7], [sflag:s8] =	dma.local @!p0 [hbm:s6], $0xF7A  }
0x23: {  	s9 =	sor.u32 $0xD0000000, s2;
	s6 =	simm.s32 $0x108;
	_ =	swait.ge @!p0 [sflag:s8], $0x0  }
0x24: {  	s3 =	sadd.s32 $0x88, s3;
	s6 =	simm.s32 @!p1 $0x1082;
	[sflag:s4] =	ssyncset.s32 $0xFFFFF086  }
0x25: {  	[simem:s6], [sflag:s4] =	dma.local [hbm:s3], $0xF7A  }
0x26: {  	[smem:$0x3F99] =	sst s1;
	(tag) =	ssettag s2;
	_ =	strace s9  }
0x27: {  	s1 =	sld [smem:$0x3FA9]  }
0x28: {  	s2 =	sld [smem:$0x3FAA]  }
0x29: {  	s4 =	sld [smem:$0x3FAC]  }
0x2a: {  	p0 =	seq.s32 s5, $0x0;
	s5 =	sld [smem:$0x3FAD]  }
0x2b: {  	s6 =	sld [smem:$0x3FAE]  }
0x2c: {  	s7 =	sld [smem:$0x3FAF]  }
0x2d: {  	s3 =	simm.s32 $0x108;
	s8 =	sld [smem:$0x3FB0]  }
0x2e: {  	s3 =	simm.s32 @!p0 $0x1082;
	s9 =	sld [smem:$0x3FB1]  }
0x2f: {  	lr =	sadd.s32 s0, s3;
	s0 =	sld [smem:$0x3FA8]  }
0x30: {  	s3 =	sld [smem:$0x3FAB]  }
0x31: {  	[smem:$0x3FB4] =	sst s10  }
0x32: {  	s10 =	sld [smem:$0x3FB2];
	_ =	sdelay $0x3  }
0x33: {  	p0 =	seq.s32 s10, $0x1;
	s10 =	sld [smem:$0x3FB4];
	_ =	sdelay $0x3  }
0x34: {  	[smem:$0x3FB4] =	sst s10  }
0x35: {  	s10 =	sld [smem:$0x3FB3];
	_ =	sdelay $0x3  }
0x36: {  	p1 =	seq.s32 s10, $0x1;
	s10 =	sld [smem:$0x3FB4];
	_ =	sdelay $0x3  }
0x37: {  	[smem:$0x3FB4] =	sst s10  }
0x38: {  	s10 =	sld [smem:$0x3FB5]  }
0x39: {  	_ = 	snop;
	(pc) =	sbr.ind lr, $3  }
0x3a: {  	_ = 	snop  }
0x3b: {  	_ = 	snop  }
0x3c: {  	p2 =	seq.s32 s10, $0x1;
	s10 =	sld [smem:$0x3FB4]  }
0x3d: {  	_ =	shalt  }
0x3e: {  	_ =	shalt  }
0x3f: {  	_ =	shalt  }
0x40: {  	_ =	shalt  }
0x41: {  	_ =	shalt  }
0x42: {  	_ =	shalt  }
0x43: {  	_ =	shalt  }
0x44: {  	_ =	shalt  }
0x45: {  	_ =	shalt  }
0x46: {  	_ =	shalt  }
0x47: {  	_ =	shalt  }
0x48: {  	_ =	shalt  }
0x49: {  	_ =	shalt  }
0x4a: {  	_ =	shalt  }
0x4b: {  	_ =	shalt  }
0x4c: {  	_ =	shalt  }
0x4d: {  	_ =	shalt  }
0x4e: {  	_ =	shalt  }
0x4f: {  	_ =	shalt  }
0x50: {  	_ =	shalt  }
0x51: {  	_ =	shalt  }
0x52: {  	_ =	shalt  }
0x53: {  	_ =	shalt  }
0x54: {  	_ =	shalt  }
0x55: {  	_ =	shalt  }
0x56: {  	_ =	shalt  }
0x57: {  	_ =	shalt  }
0x58: {  	_ =	shalt  }
0x59: {  	_ =	shalt  }
0x5a: {  	_ =	shalt  }
0x5b: {  	_ =	shalt  }
0x5c: {  	_ =	shalt  }
0x5d: {  	_ =	shalt  }
0x5e: {  	_ =	shalt  }
0x5f: {  	_ =	shalt  }
0x60: {  	_ =	shalt  }
0x61: {  	_ =	shalt  }
0x62: {  	_ =	shalt  }
0x63: {  	_ =	shalt  }
0x64: {  	_ =	shalt  }
0x65: {  	_ =	shalt  }
0x66: {  	_ =	shalt  }
0x67: {  	_ =	shalt  }
0x68: {  	_ =	shalt  }
0x69: {  	_ =	shalt  }
0x6a: {  	_ =	shalt  }
0x6b: {  	_ =	shalt  }
0x6c: {  	_ =	shalt  }
0x6d: {  	_ =	shalt  }
0x6e: {  	_ =	shalt  }
0x6f: {  	_ =	shalt  }
0x70: {  	_ =	shalt  }
0x71: {  	_ =	shalt  }
0x72: {  	_ =	shalt  }
0x73: {  	_ =	shalt  }
0x74: {  	_ =	shalt  }
0x75: {  	_ =	shalt  }
0x76: {  	_ =	shalt  }
0x77: {  	_ =	shalt  }
0x78: {  	_ =	shalt  }
0x79: {  	_ =	shalt  }
0x7a: {  	_ =	shalt  }
0x7b: {  	_ =	shalt  }
0x7c: {  	_ =	shalt  }
0x7d: {  	_ =	shalt  }
0x7e: {  	_ =	shalt  }
0x7f: {  	_ =	shalt  }
0x80: {  	_ =	shalt  }
0x81: {  	_ =	shalt  }
0x82: {  	_ =	shalt  }
0x83: {  	_ =	shalt  }
0x84: {  	_ =	shalt  }
0x85: {  	_ =	shalt  }
0x86: {  	_ =	shalt  }
0x87: {  	_ =	shalt  }
.Lfunc_end0:
.L_simem_size_0:
called_computation_lowered:
.L_overlay_start_0:
0x88: {  	s2 =	sld [smem:$0x3FD9]  }
0x89: {  	s3 =	sld [smem:$0x3FFE];
	_ =	sdelay $0x1  }
0x8a: {  	s1 =	srdreg.scid  }
0x8b: {  	s0 =	sand.u32 $0x1, s1  }
0x8c: {  	s17 =	sshll.u32 s0, $0xA;
	s2 =	sadd.s32 s3, s2  }
0x8d: {  	s2 =	sadd.s32 s2, s17  }
0x8e: {  	[smem:$0x3FC0] =	sst s2  }
0x8f: {  	_ = 	snop  }
0x90: {  	s2 =	sld [smem:$0x3FD0];
	(tm) =	ssettm $0x1  }
0x91: {  	s18 =	sld [smem:$0x3FFB];
	_ =	sdelay $0x3  }
0x92: {  	_ =	strace s18  }
0x93: {  	s3 =	sld [smem:$0x3FFC];
	_ =	sdelay $0x3  }
0x94: {  	_ =	strace s3  }
0x95: {  	s3 =	sld [smem:$0x3FFD];
	_ =	sdelay $0x3  }
0x96: {  	_ =	strace s3  }
0x97: {  	_ =	strace $0x8FFFFFFF  }
0x98: {  	s19 =	sld [smem:$0x3FDB];
	_ =	sdelay $0x1  }
0x99: {  	s4 =	simm.s32 $_scs_section_size  }
0x9a: {  	s5 =	simm.s32 $_size__tile_overlayer_lowered;
	s6 =	simm.s32 $_tile_overlayer_lowered  }
0x9b: {  	s22 =	simm.s32 $0x1BFF;
	s21 =	sshll.u32 s6, $0x1;
	s3 =	sadd.s32 s4, s19  }
0x9c: {  	s7 =	simm.s32 $0x0;
	s20 =	sshll.u32 s5, $0x1;
	s5 =	sadd.s32 s21, s3  }
0x9d: {  	[timem:s7], [sflag:s22] =	dma.local [hbm:s5], s20  }
0x9e: {  	_ =	swait.ge [sflag:s22], s20  }
0x9f: {  	s4 =	ssub.s32 $0x0, s20;
	[sflag:s22] =	ssyncset.done $0x0  }
0xa0: {  	[sflag:s22] =	ssyncadd.s32 s4;
	_ =	sdelay $0x1  }
0xa1: {  	s23 =	simm.s32 $0x1B8B  }
0xa2: {  	_ =	swait.ge [sflag:s23], $0x1  }
0xa3: {  	[sflag:s23] =	ssyncset.done $0x0  }
0xa4: {  	s25 =	simm.s32 $0x1B8E;
	s24 =	sld [smem:$0x3FFE];
	[sflag:s23] =	ssyncadd.s32 $0xFFFFFFFF  }
0xa5: {  	s26 =	simm.s32 $execute0_lowered;
	[smem:$0x3FD2] =	sst s25  }
0xa6: {  	s5 =	sshll.u32 s26, $0x1;
	_ =	strace $0x80000046;
	[dreg:$0x1] =	wrdreg $0xFFFFFFFF  }
0xa7: {  	s28 =	simm.s32 $_size_execute0_lowered;
	s3 =	sadd.s32 s3, s5;
	[dreg:$0x0] =	wrdreg $0x0  }
0xa8: {  	s5 =	sshll.u32 s28, $0x1;
	[dreg:$0x2] =	wrdreg s3  }
0xa9: {  	[dreg:$0x3] =	wrdreg s5  }
0xaa: {  	[dreg:$0x4] =	wrdreg $0xC0  }
0xab: {  	_ =	task [dreg:s7], $0x5FFFF  }
0xac: {  	[dreg:$0x1] =	wrdreg $0xFFFFFFFF  }
0xad: {  	[dreg:$0x0] =	wrdreg $0x60  }
0xae: {  	[dreg:$0x2] =	wrdreg s2  }
0xaf: {  	[dreg:$0x3] =	wrdreg s24  }
0xb0: {  	[dreg:$0x4] =	wrdreg $0x138000  }
0xb1: {  	[dreg:$0x5] =	wrdreg $0x90000  }
0xb2: {  	[dreg:$0x6] =	wrdreg $0x9  }
0xb3: {  	_ =	task.clear_ibuf [dreg:s7], $0x7FFFF;
	_ =	strace $0x90000046  }
0xb4: {  	s29 =	simm.s32 $0x9;
	_ =	strace $0x80000048  }
0xb5: {  	_ =	swait.ge [sflag:s29], $0x1  }
0xb6: {  	[sflag:s29] =	ssyncadd.s32 $0xFFFFFFFF  }
0xb7: {  	_ =	strace $0x90000048  }
0xb8: {  	_ =	sfence  }
0xb9: {  	s30 =	sld [smem:$0x0];
	_ =	sdelay $0x2  }
0xba: {  	s31 =	sshll.u32 s1, $0xD;
	s1 =	sshrl.u32 s1, $0x2  }
0xbb: {  	s3 =	sand.u32 $0x4000, s31;
	s1 =	sadd.s32 s1, s30  }
0xbc: {  	s0 =	sor.u32 s3, s0;
	s1 =	sshll.u32 s1, $0x11  }
0xbd: {  	s0 =	sor.u32 s1, s0  }
0xbe: {  	s0 =	sadd.s32 $0x8F2B, s0  }
0xbf: {  	[sflag:s0] =	ssyncadd.remote.s32 $0x1  }
0xc0: {  	_ =	sfence.sel $0xFFFF  }
0xc1: {  	[dreg:$0x0] =	wrdreg $0xFFFFFFFF;
	(pc) =	sbr.abs _section_cstart, $3  }
0xc2: {  	[dreg:$0x1] =	wrdreg $0xFFFFFFFF  }
0xc3: {  	_ =	task.clear_ibuf [dreg:s7], $0x2FFFF;
	_ =	strace $0x9FFFFFFF  }
0xc4: {  	(tm) =	ssettm $0x7FFFFFFF  }
0xc5: {  	_ =	shalt  }
tec
execute0_lowered:
.L_overlay_start_1:
0x0: {  	(tag) =	ssettag $0x1  }
0x1: {  	s1 =	rddreg [dreg:$0x0]  }
0x2: {  	s0 =	rddreg [dreg:$0x1]  }
0x3: {  	s3 =	rddreg [dreg:$0x2]  }
0x4: {  	s4 =	rddreg [dreg:$0x3]  }
0x5: {  	s5 =	simm.s32 $0x0;
	s13 =	stileid.u32;
	s21 =	srdreg.scid  }
0x6: {  	s28 =	simm.s32 $0x13000;
	s29 =	simm.s32 $0x80;
	s30 =	simm.s32 $0x5000  }
0x7: {  	s31 =	simm.s32 $0x1;
	s14 =	simm.s32 $0x4F00;
	s15 =	simm.s32 $0x0  }
0x8: {  	[smem:$0x7FF] =	sst s5;
	s2 =	smul.u32 $0x500, s13;
	s10 =	sadd.s32 $0x48200, s0  }
0x9: {  	s18 =	sadd.s32 $0x3200, s0;
	_ =	strace $0x80000047;
	[dreg:$0x5] =	wrdreg s10  }
0xa: {  	s6 =	sadd.s32 $0x3400, s0;
	s19 =	sadd.s32 $0x5DC00, s0;
	[dreg:$0x6] =	wrdreg s18  }
0xb: {  	s7 =	sadd.s32 $0x16E00, s0;
	s20 =	sadd.s32 $0x49C00, s0;
	[dreg:$0x7] =	wrdreg s19  }
0xc: {  	s8 =	sadd.s32 $0x2A800, s0;
	s11 =	sadd.s32 $0x7BC00, s0;
	[dreg:$0x8] =	wrdreg s20  }
0xd: {  	s9 =	sadd.s32 $0x48800, s0;
	s22 =	sadd.s32 $0x8FC00, s0;
	[dreg:$0x9] =	wrdreg s11  }
0xe: {  	s23 =	sadd.s32 $0x71C00, s0;
	s12 =	smul.u32 $0x2800, s13;
	[dreg:$0xa] =	wrdreg s22  }
0xf: {  	s13 =	smul.u32 $0xA000, s13;
	s10 =	sand.u32 $0x1, s21;
	[dreg:$0xb] =	wrdreg s23  }
0x10: {  	s2 =	sadd.s32 s2, s0;
	s24 =	ssub.s32 $0x2, s10;
	s0 =	sadd.s32 $0x76C00, s0  }
0x11: {  	s20 =	sadd.s32 s12, s3;
	s21 =	sadd.s32 s13, s4;
	s22 =	sshrl.u32 s13, $0x3  }
.Ltmp0:
0x12: {  	s23 =	sshrl.u32 s12, $0x3;
	p0 =	sne.s32 s10, $0x0;
	(pc) =	sbr.rel .LBB2_1-.Ltmp0, $4  }
0x13: {  	s12 =	simm.s32 $0x2;
	s13 =	simm.s32 $0x2780;
	[dreg:$0xc] =	wrdreg s0  }
0x14: {  	s25 =	sshrl.u32 s24, $0x1;
	s26 =	sadd.s32 $0x3E200, s2;
	s19 =	sadd.s32 $0x43200, s2  }
0x15: {  	s0 =	ssub.s32 s24, s25;
	[dreg:$0xd] =	wrdreg s26;
	s25 =	simm.s32 $0x3  }
0x16: {  	s26 =	simm.s32 $0x4F80;
	s24 =	smax.u32 s0, $0x1;
	s0 =	simm.s32 $0x7000  }
.LBB2_14:
0x17: {  	[sflag:s25] =	ssyncadd.s32 $0xFFFFE000  }
0x18: {  	_ =	swait.ge [sflag:s31], $0x2000  }
0x19: {  	[sflag:s31] =	ssyncset.done $0x0;
	s11 =	rddreg [dreg:$0xa]  }
0x1a: {  	s10 =	rddreg [dreg:$0xc];
	[sflag:s31] =	ssyncadd.s32 $0xFFFFE000  }
0x1b: {  	[tilespmem:s0], [sflag:$0x2] =	stream.indirect.gather [hbm4b:s8+s29], $0x40, s13, s29, $0xb8;
	[tilespmem:$0x16000] =	vst v63  }
.LBB2_15:
0x1c: {  	[spmem:s4] =	stream.indirect.scatter.add.f32 [tilespmem:s30], [sflag:$0x3], $0x40, s14, s29, $0xb8;
	[tilespmem:$0x16000] =	vst v63  }
0x1d: {  	_ =	swait.ge [sflag:s25], $0x2000  }
0x1e: {  	[sflag:s25] =	ssyncset.done $0x0  }
0x1f: {  	[sflag:s25] =	ssyncadd.s32 $0xFFFFE000  }
0x20: {  	_ =	swait.ge [sflag:s12], $0x2000  }
0x21: {  	[sflag:s12] =	ssyncset.done $0x0  }
0x22: {  	[sflag:s12] =	ssyncadd.s32 $0xFFFFE000  }
0x23: {  	[spmem:s4] =	stream.indirect.scatter.add.f32 [tilespmem:s0], [sflag:$0x3], $0x40, s26, s29, $0xb8;
	[tilespmem:$0x16000] =	vst v63  }
0x24: {  	_ =	swait.ge [sflag:s25], $0x2000  }
0x25: {  	[sflag:s25] =	ssyncset.done $0x0  }
0x26: {  	[sflag:s25] =	ssyncadd.s32 $0xFFFFE000  }
0x27: {  	s11 =	sadd.s32 s11, s22;
	[bflag:$0x0] =	sbarrier.arrive $0xFFFF  }
0x28: {  	[hbm:s11], [sflag:s16] =	dma.local [spmem:s2], $0x1400  }
0x29: {  	s15 =	sadd.s32 $0x1, s15;
	_ =	swait.ge [sflag:s25], $0x1400  }
0x2a: {  	p1 =	sne.s32 s15, s24;
	[sflag:s25] =	ssyncset.done $0x0  }
.Ltmp1:
0x2b: {  	s18 =	sadd.s32 s10, s23;
	[sflag:s25] =	ssyncadd.s32 $0xFFFFEC00;
	(pc) =	sbr.rel @!p1 .LBB2_16-.Ltmp1, $4  }
0x2c: {  	[hbm:s18], [sflag:s16] =	dma.local [spmem:s17], $0x500  }
0x2d: {  	_ =	swait.ge [sflag:s25], $0x500  }
0x2e: {  	[sflag:s25] =	ssyncset.done $0x0  }
0x2f: {  	[sflag:s25] =	ssyncadd.s32 $0xFFFFFB00  }
.LBB2_1:
0x30: {  	s2 =	rddreg [dreg:$0xd]  }
0x31: {  	[tilespmem:s5], [sflag:$0x3] =	stream.linear.gather [hbm4b:s2+s5], $0x2800, $0x38;
	[tilespmem:$0x16000] =	vst v63  }
0x32: {  	_ =	swait.ge [sflag:s25], $0x2800  }
0x33: {  	[sflag:s25] =	ssyncset.done $0x0  }
0x34: {  	s11 =	simm.s32 $0x2800;
	[sflag:s25] =	ssyncadd.s32 $0xFFFFD800  }
0x35: {  	[tilespmem:s11], [sflag:$0x3] =	stream.linear.gather [hbm4b:s19+s5], $0x2800, $0x38;
	[tilespmem:$0x16000] =	vst v63  }
0x36: {  	_ =	swait.ge [sflag:s25], $0x2800  }
0x37: {  	[sflag:s25] =	ssyncset.done $0x0  }
0x38: {  	s16 =	rddreg [dreg:$0x6];
	[sflag:s25] =	ssyncadd.s32 $0xFFFFD800  }
0x39: {  	[tilespmem:s28], [sflag:$0x3] =	stream.linear.gather [hbm4b:s16+s5], $0x800, $0x38;
	[tilespmem:$0x16000] =	vst v63  }
0x3a: {  	s17 =	stileid.u32;
	_ =	swait.ge [sflag:s25], $0x800  }
0x3b: {  	s2 =	sshll.u32 s17, $0x6;
	s17 =	sshrl.u32 s20, $0x3;
	[sflag:s25] =	ssyncset.done $0x0  }
0x3c: {  	s16 =	sor.u32 $0x1C03, s2;
	s18 =	rddreg [dreg:$0x5];
	[sflag:s25] =	ssyncadd.s32 $0xFFFFF800  }
0x3d: {  	[spmem:s17], [sflag:s16] =	dma.local [hbm:s18], $0x500  }
0x3e: {  	_ =	swait.ge [sflag:s25], $0x500  }
0x3f: {  	[sflag:s25] =	ssyncset.done $0x0  }
0x40: {  	s2 =	sshrl.u32 s21, $0x3;
	[sflag:s25] =	ssyncadd.s32 $0xFFFFFB00  }
0x41: {  	[spmem:s2], [sflag:s16] =	dma.local [hbm:s9], $0x1400  }
.Ltmp2:
0x42: {  	_ =	swait.ge [sflag:s25], $0x1400;
	(pc) =	sbr.rel @p0 .LBB2_5-.Ltmp2, $4  }
0x43: {  	[sflag:s25] =	ssyncset.done $0x0  }
0x44: {  	[sflag:s25] =	ssyncadd.s32 $0xFFFFEC00  }
0x45: {  	[bflag:$0x0] =	sbarrier.arrive $0xFFFF  }
0x46: {  	s10 =	simm.s32 $0x0  }
0x47: {  	[tilespmem:s30], [sflag:$0x1] =	stream.indirect.gather [hbm4b:s1+s29], $0x40, s10, s29, $0xb8;
	[tilespmem:$0x16000] =	vst v63  }
0x48: {  	_ =	swait.ge [sflag:s31], $0x2000  }
0x49: {  	[sflag:s31] =	ssyncset.done $0x0  }
0x4a: {  	s11 =	simm.s32 $0x80;
	[sflag:s31] =	ssyncadd.s32 $0xFFFFE000  }
0x4b: {  	[tilespmem:s0], [sflag:$0x2] =	stream.indirect.gather [hbm4b:s1+s29], $0x40, s11, s29, $0xb8;
	[tilespmem:$0x16000] =	vst v63  }
0x4c: {  	s18 =	simm.s32 $0x2800  }
0x4d: {  	[spmem:s4] =	stream.indirect.scatter.add.f32 [tilespmem:s30], [sflag:$0x3], $0x40, s18, s29, $0xb8;
	[tilespmem:$0x16000] =	vst v63  }
0x4e: {  	_ =	swait.ge [sflag:s25], $0x2000  }
0x4f: {  	[sflag:s25] =	ssyncset.done $0x0  }
0x50: {  	[sflag:s25] =	ssyncadd.s32 $0xFFFFE000  }
0x51: {  	[spmem:s3] =	stream.indirect.scatter.add.f32 [tilespmem:s28], [sflag:$0x3], $0x10, s18, s29, $0xb8;
	[tilespmem:$0x16000] =	vst v63  }
0x52: {  	_ =	swait.ge [sflag:s25], $0x800  }
0x53: {  	[sflag:s25] =	ssyncset.done $0x0  }
0x54: {  	[sflag:s25] =	ssyncadd.s32 $0xFFFFF800  }
0x55: {  	_ =	swait.ge [sflag:s12], $0x2000  }
0x56: {  	[sflag:s12] =	ssyncset.done $0x0  }
0x57: {  	s11 =	simm.s32 $0x100;
	[sflag:s12] =	ssyncadd.s32 $0xFFFFE000  }
0x58: {  	[tilespmem:s30], [sflag:$0x1] =	stream.indirect.gather [hbm4b:s1+s29], $0x40, s11, s29, $0xb8;
	[tilespmem:$0x16000] =	vst v63  }
0x59: {  	s18 =	simm.s32 $0x2880  }
0x5a: {  	[spmem:s4] =	stream.indirect.scatter.add.f32 [tilespmem:s0], [sflag:$0x3], $0x40, s18, s29, $0xb8;
	[tilespmem:$0x16000] =	vst v63  }
0x5b: {  	_ =	swait.ge [sflag:s25], $0x2000  }
0x5c: {  	s10 =	simm.s32 $0x400;
	[sflag:s25] =	ssyncset.done $0x0  }
.LBB2_3:
0x5d: {  	p1 =	sne.s32 s10, $0x9800  }
0x5e: {  	[sflag:s25] =	ssyncadd.s32 $0xFFFFE000;
	s11 =	smov.u32 s10;
	s10 =	sadd.s32 $0x400, s10  }
0x5f: {  	_ = 	snop  }
0x60: {  	_ =	swait.ge [sflag:s31], $0x2000  }
0x61: {  	s11 =	sshra.s32 s11, $0x2;
	[sflag:s31] =	ssyncset.done $0x0  }
0x62: {  	s18 =	sadd.s32 $0x80, s11;
	[sflag:s31] =	ssyncadd.s32 $0xFFFFE000  }
0x63: {  	[tilespmem:s0], [sflag:$0x2] =	stream.indirect.gather [hbm4b:s1+s29], $0x40, s18, s29, $0xb8;
	[tilespmem:$0x16000] =	vst v63  }
0x64: {  	s18 =	sadd.s32 $0x2800, s11  }
0x65: {  	[spmem:s4] =	stream.indirect.scatter.add.f32 [tilespmem:s30], [sflag:$0x3], $0x40, s18, s29, $0xb8;
	[tilespmem:$0x16000] =	vst v63  }
0x66: {  	_ =	swait.ge [sflag:s25], $0x2000  }
0x67: {  	[sflag:s25] =	ssyncset.done $0x0  }
0x68: {  	[sflag:s25] =	ssyncadd.s32 $0xFFFFE000  }
0x69: {  	[spmem:s3] =	stream.indirect.scatter.add.f32 [tilespmem:s28], [sflag:$0x3], $0x10, s18, s29, $0xb8;
	[tilespmem:$0x16000] =	vst v63  }
0x6a: {  	_ =	swait.ge [sflag:s25], $0x800  }
0x6b: {  	[sflag:s25] =	ssyncset.done $0x0  }
0x6c: {  	[sflag:s25] =	ssyncadd.s32 $0xFFFFF800  }
0x6d: {  	_ =	swait.ge [sflag:s12], $0x2000  }
0x6e: {  	[sflag:s12] =	ssyncset.done $0x0  }
0x6f: {  	s18 =	sadd.s32 $0x100, s11;
	[sflag:s12] =	ssyncadd.s32 $0xFFFFE000  }
0x70: {  	[tilespmem:s30], [sflag:$0x1] =	stream.indirect.gather [hbm4b:s1+s29], $0x40, s18, s29, $0xb8;
	[tilespmem:$0x16000] =	vst v63  }
.Ltmp3:
0x71: {  	_ = 	snop;
	(pc) =	sbr.rel @p1 .LBB2_3-.Ltmp3, $4  }
0x72: {  	s11 =	sadd.s32 $0x2880, s11  }
0x73: {  	[spmem:s4] =	stream.indirect.scatter.add.f32 [tilespmem:s0], [sflag:$0x3], $0x40, s11, s29, $0xb8;
	[tilespmem:$0x16000] =	vst v63  }
0x74: {  	_ =	swait.ge [sflag:s25], $0x2000  }
0x75: {  	[sflag:s25] =	ssyncset.done $0x0  }
0x76: {  	[sflag:s25] =	ssyncadd.s32 $0xFFFFE000  }
0x77: {  	_ =	swait.ge [sflag:s31], $0x2000  }
0x78: {  	[sflag:s31] =	ssyncset.done $0x0  }
0x79: {  	[sflag:s31] =	ssyncadd.s32 $0xFFFFE000  }
0x7a: {  	[tilespmem:s0], [sflag:$0x2] =	stream.indirect.gather [hbm4b:s1+s29], $0x40, s13, s29, $0xb8;
	[tilespmem:$0x16000] =	vst v63  }
0x7b: {  	_ = 	snop  }
0x7c: {  	[spmem:s4] =	stream.indirect.scatter.add.f32 [tilespmem:s30], [sflag:$0x3], $0x40, s14, s29, $0xb8;
	[tilespmem:$0x16000] =	vst v63  }
0x7d: {  	_ =	swait.ge [sflag:s25], $0x2000  }
0x7e: {  	[sflag:s25] =	ssyncset.done $0x0  }
0x7f: {  	[sflag:s25] =	ssyncadd.s32 $0xFFFFE000  }
0x80: {  	[spmem:s3] =	stream.indirect.scatter.add.f32 [tilespmem:s28], [sflag:$0x3], $0x10, s14, s29, $0xb8;
	[tilespmem:$0x16000] =	vst v63  }
0x81: {  	_ =	swait.ge [sflag:s25], $0x800  }
0x82: {  	[sflag:s25] =	ssyncset.done $0x0  }
0x83: {  	[sflag:s25] =	ssyncadd.s32 $0xFFFFF800  }
0x84: {  	_ =	swait.ge [sflag:s12], $0x2000  }
0x85: {  	[sflag:s12] =	ssyncset.done $0x0  }
.Ltmp4:
0x86: {  	[sflag:s12] =	ssyncadd.s32 $0xFFFFE000;
	(pc) =	sbr.rel .LBB2_8-.Ltmp4, $4  }
0x87: {  	[spmem:s4] =	stream.indirect.scatter.add.f32 [tilespmem:s0], [sflag:$0x3], $0x40, s26, s29, $0xb8;
	[tilespmem:$0x16000] =	vst v63  }
0x88: {  	_ =	swait.ge [sflag:s25], $0x2000  }
0x89: {  	[sflag:s25] =	ssyncset.done $0x0  }
0x8a: {  	s10 =	rddreg [dreg:$0x7];
	[sflag:s25] =	ssyncadd.s32 $0xFFFFE000  }
.LBB2_5:
0x8b: {  	[tilespmem:s30], [sflag:$0x1] =	stream.indirect.gather [hbm4b:s7+s29], $0x40, s10, s29, $0xb8;
	[tilespmem:$0x16000] =	vst v63  }
0x8c: {  	_ =	swait.ge [sflag:s31], $0x2000  }
0x8d: {  	[sflag:s31] =	ssyncset.done $0x0  }
0x8e: {  	s11 =	simm.s32 $0x80;
	[sflag:s31] =	ssyncadd.s32 $0xFFFFE000  }
0x8f: {  	[tilespmem:s0], [sflag:$0x2] =	stream.indirect.gather [hbm4b:s7+s29], $0x40, s11, s29, $0xb8;
	[tilespmem:$0x16000] =	vst v63  }
0x90: {  	s18 =	simm.s32 $0x2800  }
0x91: {  	[spmem:s4] =	stream.indirect.scatter.add.f32 [tilespmem:s30], [sflag:$0x3], $0x40, s18, s29, $0xb8;
	[tilespmem:$0x16000] =	vst v63  }
0x92: {  	_ =	swait.ge [sflag:s25], $0x2000  }
0x93: {  	[sflag:s25] =	ssyncset.done $0x0  }
0x94: {  	[sflag:s25] =	ssyncadd.s32 $0xFFFFE000  }
0x95: {  	_ =	swait.ge [sflag:s12], $0x2000  }
0x96: {  	[sflag:s12] =	ssyncset.done $0x0  }
0x97: {  	s11 =	simm.s32 $0x100;
	[sflag:s12] =	ssyncadd.s32 $0xFFFFE000  }
0x98: {  	[tilespmem:s30], [sflag:$0x1] =	stream.indirect.gather [hbm4b:s7+s29], $0x40, s11, s29, $0xb8;
	[tilespmem:$0x16000] =	vst v63  }
0x99: {  	s18 =	simm.s32 $0x2880  }
0x9a: {  	[spmem:s4] =	stream.indirect.scatter.add.f32 [tilespmem:s0], [sflag:$0x3], $0x40, s18, s29, $0xb8;
	[tilespmem:$0x16000] =	vst v63  }
0x9b: {  	_ =	swait.ge [sflag:s25], $0x2000  }
0x9c: {  	[sflag:s25] =	ssyncset.done $0x0  }
0x9d: {  	[sflag:s25] =	ssyncadd.s32 $0xFFFFE000  }
0x9e: {  	[spmem:s3] =	stream.indirect.scatter.add.f32 [tilespmem:s28], [sflag:$0x3], $0x10, s18, s29, $0xb8;
	[tilespmem:$0x16000] =	vst v63  }
0x9f: {  	_ =	swait.ge [sflag:s25], $0x800  }
0xa0: {  	s10 =	simm.s32 $0x400;
	[sflag:s25] =	ssyncset.done $0x0  }
.LBB2_6:
0xa1: {  	p1 =	sne.s32 s10, $0x9800  }
0xa2: {  	[sflag:s25] =	ssyncadd.s32 $0xFFFFF800;
	s11 =	smov.u32 s10;
	s10 =	sadd.s32 $0x400, s10  }
0xa3: {  	_ =	swait.ge [sflag:s31], $0x2000  }
0xa4: {  	s11 =	sshra.s32 s11, $0x2;
	[sflag:s31] =	ssyncset.done $0x0  }
0xa5: {  	s18 =	sadd.s32 $0x80, s11;
	[sflag:s31] =	ssyncadd.s32 $0xFFFFE000  }
0xa6: {  	[tilespmem:s0], [sflag:$0x2] =	stream.indirect.gather [hbm4b:s7+s29], $0x40, s18, s29, $0xb8;
	[tilespmem:$0x16000] =	vst v63  }
0xa7: {  	s18 =	sadd.s32 $0x2800, s11  }
0xa8: {  	[spmem:s4] =	stream.indirect.scatter.add.f32 [tilespmem:s30], [sflag:$0x3], $0x40, s18, s29, $0xb8;
	[tilespmem:$0x16000] =	vst v63  }
0xa9: {  	_ =	swait.ge [sflag:s25], $0x2000  }
0xaa: {  	[sflag:s25] =	ssyncset.done $0x0  }
0xab: {  	[sflag:s25] =	ssyncadd.s32 $0xFFFFE000  }
0xac: {  	_ =	swait.ge [sflag:s12], $0x2000  }
0xad: {  	[sflag:s12] =	ssyncset.done $0x0  }
0xae: {  	s18 =	sadd.s32 $0x100, s11;
	[sflag:s12] =	ssyncadd.s32 $0xFFFFE000  }
0xaf: {  	[tilespmem:s30], [sflag:$0x1] =	stream.indirect.gather [hbm4b:s7+s29], $0x40, s18, s29, $0xb8;
	[tilespmem:$0x16000] =	vst v63  }
0xb0: {  	s11 =	sadd.s32 $0x2880, s11  }
0xb1: {  	[spmem:s4] =	stream.indirect.scatter.add.f32 [tilespmem:s0], [sflag:$0x3], $0x40, s11, s29, $0xb8;
	[tilespmem:$0x16000] =	vst v63  }
0xb2: {  	_ =	swait.ge [sflag:s25], $0x2000  }
.Ltmp5:
0xb3: {  	[sflag:s25] =	ssyncset.done $0x0;
	(pc) =	sbr.rel @p1 .LBB2_6-.Ltmp5, $4  }
0xb4: {  	[sflag:s25] =	ssyncadd.s32 $0xFFFFE000  }
0xb5: {  	[spmem:s3] =	stream.indirect.scatter.add.f32 [tilespmem:s28], [sflag:$0x3], $0x10, s11, s29, $0xb8;
	[tilespmem:$0x16000] =	vst v63  }
0xb6: {  	_ =	swait.ge [sflag:s25], $0x800  }
0xb7: {  	[sflag:s25] =	ssyncset.done $0x0  }
0xb8: {  	[sflag:s25] =	ssyncadd.s32 $0xFFFFF800  }
0xb9: {  	_ =	swait.ge [sflag:s31], $0x2000  }
0xba: {  	[sflag:s31] =	ssyncset.done $0x0  }
0xbb: {  	[sflag:s31] =	ssyncadd.s32 $0xFFFFE000  }
0xbc: {  	[tilespmem:s0], [sflag:$0x2] =	stream.indirect.gather [hbm4b:s7+s29], $0x40, s13, s29, $0xb8;
	[tilespmem:$0x16000] =	vst v63  }
0xbd: {  	_ = 	snop  }
0xbe: {  	[spmem:s4] =	stream.indirect.scatter.add.f32 [tilespmem:s30], [sflag:$0x3], $0x40, s14, s29, $0xb8;
	[tilespmem:$0x16000] =	vst v63  }
0xbf: {  	_ =	swait.ge [sflag:s25], $0x2000  }
0xc0: {  	[sflag:s25] =	ssyncset.done $0x0  }
0xc1: {  	[sflag:s25] =	ssyncadd.s32 $0xFFFFE000  }
0xc2: {  	_ =	swait.ge [sflag:s12], $0x2000  }
0xc3: {  	[sflag:s12] =	ssyncset.done $0x0  }
0xc4: {  	[sflag:s12] =	ssyncadd.s32 $0xFFFFE000  }
0xc5: {  	[spmem:s4] =	stream.indirect.scatter.add.f32 [tilespmem:s0], [sflag:$0x3], $0x40, s26, s29, $0xb8;
	[tilespmem:$0x16000] =	vst v63  }
0xc6: {  	_ =	swait.ge [sflag:s25], $0x2000  }
0xc7: {  	[sflag:s25] =	ssyncset.done $0x0  }
0xc8: {  	[sflag:s25] =	ssyncadd.s32 $0xFFFFE000  }
0xc9: {  	[spmem:s3] =	stream.indirect.scatter.add.f32 [tilespmem:s28], [sflag:$0x3], $0x10, s26, s29, $0xb8;
	[tilespmem:$0x16000] =	vst v63  }
0xca: {  	_ =	swait.ge [sflag:s25], $0x800  }
0xcb: {  	[sflag:s25] =	ssyncset.done $0x0  }
0xcc: {  	s10 =	rddreg [dreg:$0x9];
	[sflag:s25] =	ssyncadd.s32 $0xFFFFF800  }
.LBB2_8:
0xcd: {  	s10 =	sadd.s32 s10, s22;
	[bflag:$0x0] =	sbarrier.arrive $0xFFFF  }
0xce: {  	[hbm:s10], [sflag:s16] =	dma.local [spmem:s2], $0x1400  }
0xcf: {  	_ =	swait.ge [sflag:s25], $0x1400  }
0xd0: {  	[sflag:s25] =	ssyncset.done $0x0  }
0xd1: {  	[sflag:s25] =	ssyncadd.s32 $0xFFFFEC00  }
0xd2: {  	[spmem:s2], [sflag:s16] =	dma.local [hbm:s9], $0x1400  }
.Ltmp6:
0xd3: {  	_ =	swait.ge [sflag:s25], $0x1400;
	(pc) =	sbr.rel @p0 .LBB2_12-.Ltmp6, $4  }
0xd4: {  	[sflag:s25] =	ssyncset.done $0x0  }
0xd5: {  	[sflag:s25] =	ssyncadd.s32 $0xFFFFEC00  }
0xd6: {  	[bflag:$0x0] =	sbarrier.arrive $0xFFFF  }
0xd7: {  	s10 =	simm.s32 $0x0  }
0xd8: {  	[tilespmem:s30], [sflag:$0x1] =	stream.indirect.gather [hbm4b:s6+s29], $0x40, s10, s29, $0xb8;
	[tilespmem:$0x16000] =	vst v63  }
0xd9: {  	_ =	swait.ge [sflag:s31], $0x2000  }
0xda: {  	[sflag:s31] =	ssyncset.done $0x0  }
0xdb: {  	s11 =	simm.s32 $0x80;
	[sflag:s31] =	ssyncadd.s32 $0xFFFFE000  }
0xdc: {  	[tilespmem:s0], [sflag:$0x2] =	stream.indirect.gather [hbm4b:s6+s29], $0x40, s11, s29, $0xb8;
	[tilespmem:$0x16000] =	vst v63  }
0xdd: {  	s18 =	simm.s32 $0x2800  }
0xde: {  	[spmem:s4] =	stream.indirect.scatter.add.f32 [tilespmem:s30], [sflag:$0x3], $0x40, s18, s29, $0xb8;
	[tilespmem:$0x16000] =	vst v63  }
0xdf: {  	_ =	swait.ge [sflag:s25], $0x2000  }
0xe0: {  	[sflag:s25] =	ssyncset.done $0x0  }
0xe1: {  	[sflag:s25] =	ssyncadd.s32 $0xFFFFE000  }
0xe2: {  	_ =	swait.ge [sflag:s12], $0x2000  }
0xe3: {  	[sflag:s12] =	ssyncset.done $0x0  }
0xe4: {  	s11 =	simm.s32 $0x100;
	[sflag:s12] =	ssyncadd.s32 $0xFFFFE000  }
0xe5: {  	[tilespmem:s30], [sflag:$0x1] =	stream.indirect.gather [hbm4b:s6+s29], $0x40, s11, s29, $0xb8;
	[tilespmem:$0x16000] =	vst v63  }
0xe6: {  	s18 =	simm.s32 $0x2880  }
0xe7: {  	[spmem:s4] =	stream.indirect.scatter.add.f32 [tilespmem:s0], [sflag:$0x3], $0x40, s18, s29, $0xb8;
	[tilespmem:$0x16000] =	vst v63  }
0xe8: {  	_ =	swait.ge [sflag:s25], $0x2000  }
0xe9: {  	s10 =	simm.s32 $0x400;
	[sflag:s25] =	ssyncset.done $0x0  }
.LBB2_10:
0xea: {  	p1 =	sne.s32 s10, $0x9800  }
0xeb: {  	[sflag:s25] =	ssyncadd.s32 $0xFFFFE000;
	s11 =	smov.u32 s10;
	s10 =	sadd.s32 $0x400, s10  }
0xec: {  	_ = 	snop  }
0xed: {  	_ =	swait.ge [sflag:s31], $0x2000  }
0xee: {  	s11 =	sshra.s32 s11, $0x2;
	[sflag:s31] =	ssyncset.done $0x0  }
0xef: {  	s18 =	sadd.s32 $0x80, s11;
	[sflag:s31] =	ssyncadd.s32 $0xFFFFE000  }
0xf0: {  	[tilespmem:s0], [sflag:$0x2] =	stream.indirect.gather [hbm4b:s6+s29], $0x40, s18, s29, $0xb8;
	[tilespmem:$0x16000] =	vst v63  }
0xf1: {  	s18 =	sadd.s32 $0x2800, s11  }
0xf2: {  	[spmem:s4] =	stream.indirect.scatter.add.f32 [tilespmem:s30], [sflag:$0x3], $0x40, s18, s29, $0xb8;
	[tilespmem:$0x16000] =	vst v63  }
0xf3: {  	_ =	swait.ge [sflag:s25], $0x2000  }
0xf4: {  	[sflag:s25] =	ssyncset.done $0x0  }
0xf5: {  	[sflag:s25] =	ssyncadd.s32 $0xFFFFE000  }
0xf6: {  	_ =	swait.ge [sflag:s12], $0x2000  }
0xf7: {  	[sflag:s12] =	ssyncset.done $0x0  }
0xf8: {  	s18 =	sadd.s32 $0x100, s11;
	[sflag:s12] =	ssyncadd.s32 $0xFFFFE000  }
0xf9: {  	[tilespmem:s30], [sflag:$0x1] =	stream.indirect.gather [hbm4b:s6+s29], $0x40, s18, s29, $0xb8;
	[tilespmem:$0x16000] =	vst v63  }
.Ltmp7:
0xfa: {  	_ = 	snop;
	(pc) =	sbr.rel @p1 .LBB2_10-.Ltmp7, $4  }
0xfb: {  	s11 =	sadd.s32 $0x2880, s11  }
0xfc: {  	[spmem:s4] =	stream.indirect.scatter.add.f32 [tilespmem:s0], [sflag:$0x3], $0x40, s11, s29, $0xb8;
	[tilespmem:$0x16000] =	vst v63  }
0xfd: {  	_ =	swait.ge [sflag:s25], $0x2000  }
0xfe: {  	[sflag:s25] =	ssyncset.done $0x0  }
.Ltmp8:
0xff: {  	[sflag:s25] =	ssyncadd.s32 $0xFFFFE000;
	(pc) =	sbr.rel .LBB2_15-.Ltmp8, $4  }
0x100: {  	_ =	swait.ge [sflag:s31], $0x2000  }
0x101: {  	[sflag:s31] =	ssyncset.done $0x0;
	s11 =	rddreg [dreg:$0x8]  }
0x102: {  	s10 =	rddreg [dreg:$0xb];
	[sflag:s31] =	ssyncadd.s32 $0xFFFFE000  }
0x103: {  	[tilespmem:s0], [sflag:$0x2] =	stream.indirect.gather [hbm4b:s6+s29], $0x40, s13, s29, $0xb8;
	[tilespmem:$0x16000] =	vst v63  }
.LBB2_12:
0x104: {  	[tilespmem:s30], [sflag:$0x1] =	stream.indirect.gather [hbm4b:s8+s29], $0x40, s10, s29, $0xb8;
	[tilespmem:$0x16000] =	vst v63  }
0x105: {  	_ =	swait.ge [sflag:s31], $0x2000  }
0x106: {  	[sflag:s31] =	ssyncset.done $0x0  }
0x107: {  	s11 =	simm.s32 $0x80;
	[sflag:s31] =	ssyncadd.s32 $0xFFFFE000  }
0x108: {  	[tilespmem:s0], [sflag:$0x2] =	stream.indirect.gather [hbm4b:s8+s29], $0x40, s11, s29, $0xb8;
	[tilespmem:$0x16000] =	vst v63  }
0x109: {  	s18 =	simm.s32 $0x2800  }
0x10a: {  	[spmem:s4] =	stream.indirect.scatter.add.f32 [tilespmem:s30], [sflag:$0x3], $0x40, s18, s29, $0xb8;
	[tilespmem:$0x16000] =	vst v63  }
0x10b: {  	_ =	swait.ge [sflag:s25], $0x2000  }
0x10c: {  	[sflag:s25] =	ssyncset.done $0x0  }
0x10d: {  	[sflag:s25] =	ssyncadd.s32 $0xFFFFE000  }
0x10e: {  	_ =	swait.ge [sflag:s12], $0x2000  }
0x10f: {  	[sflag:s12] =	ssyncset.done $0x0  }
0x110: {  	s11 =	simm.s32 $0x100;
	[sflag:s12] =	ssyncadd.s32 $0xFFFFE000  }
0x111: {  	[tilespmem:s30], [sflag:$0x1] =	stream.indirect.gather [hbm4b:s8+s29], $0x40, s11, s29, $0xb8;
	[tilespmem:$0x16000] =	vst v63  }
0x112: {  	s18 =	simm.s32 $0x2880  }
0x113: {  	[spmem:s4] =	stream.indirect.scatter.add.f32 [tilespmem:s0], [sflag:$0x3], $0x40, s18, s29, $0xb8;
	[tilespmem:$0x16000] =	vst v63  }
0x114: {  	_ =	swait.ge [sflag:s25], $0x2000  }
0x115: {  	s10 =	simm.s32 $0x400;
	[sflag:s25] =	ssyncset.done $0x0  }
.LBB2_13:
0x116: {  	p1 =	sne.s32 s10, $0x9800  }
0x117: {  	[sflag:s25] =	ssyncadd.s32 $0xFFFFE000;
	s11 =	smov.u32 s10;
	s10 =	sadd.s32 $0x400, s10  }
0x118: {  	_ = 	snop  }
0x119: {  	_ =	swait.ge [sflag:s31], $0x2000  }
0x11a: {  	s11 =	sshra.s32 s11, $0x2;
	[sflag:s31] =	ssyncset.done $0x0  }
0x11b: {  	s18 =	sadd.s32 $0x80, s11;
	[sflag:s31] =	ssyncadd.s32 $0xFFFFE000  }
0x11c: {  	[tilespmem:s0], [sflag:$0x2] =	stream.indirect.gather [hbm4b:s8+s29], $0x40, s18, s29, $0xb8;
	[tilespmem:$0x16000] =	vst v63  }
0x11d: {  	s18 =	sadd.s32 $0x2800, s11  }
0x11e: {  	[spmem:s4] =	stream.indirect.scatter.add.f32 [tilespmem:s30], [sflag:$0x3], $0x40, s18, s29, $0xb8;
	[tilespmem:$0x16000] =	vst v63  }
0x11f: {  	_ =	swait.ge [sflag:s25], $0x2000  }
0x120: {  	[sflag:s25] =	ssyncset.done $0x0  }
0x121: {  	[sflag:s25] =	ssyncadd.s32 $0xFFFFE000  }
0x122: {  	_ =	swait.ge [sflag:s12], $0x2000  }
0x123: {  	[sflag:s12] =	ssyncset.done $0x0  }
0x124: {  	s18 =	sadd.s32 $0x100, s11;
	[sflag:s12] =	ssyncadd.s32 $0xFFFFE000  }
0x125: {  	[tilespmem:s30], [sflag:$0x1] =	stream.indirect.gather [hbm4b:s8+s29], $0x40, s18, s29, $0xb8;
	[tilespmem:$0x16000] =	vst v63  }
.Ltmp9:
0x126: {  	_ = 	snop;
	(pc) =	sbr.rel @p1 .LBB2_13-.Ltmp9, $4  }
0x127: {  	s11 =	sadd.s32 $0x2880, s11  }
0x128: {  	[spmem:s4] =	stream.indirect.scatter.add.f32 [tilespmem:s0], [sflag:$0x3], $0x40, s11, s29, $0xb8;
	[tilespmem:$0x16000] =	vst v63  }
0x129: {  	_ =	swait.ge [sflag:s25], $0x2000  }
0x12a: {  	[sflag:s25] =	ssyncset.done $0x0  }
.Ltmp10:
0x12b: {  	_ = 	snop;
	(pc) =	sbr.rel .LBB2_14-.Ltmp10, $1  }
0x12c: {  	_ =	sdelay $0x3  }
.LBB2_16:
0x12d: {  	_ =	sfence.sel $0x180000  }
0x12e: {  	[bflag:$0x0] =	sbarrier.arrive $0xFFFF  }
0x12f: {  	_ =	strace $0x90000047  }
0x130: {  	s0 =	stileid.u32;
	[bflag:$0x2] =	sbarrier.arrive $0xFFFF  }
0x131: {  	p0 =	sne.s32 s0, $0x0;
	s0 =	rddreg [dreg:$0x4]  }
0x132: {  	s0 =	sadd.s32 @!p0 $0x100000, s0  }
0x133: {  	[sflag:s0] =	ssyncadd.tile.s32 @!p0 $0x1;
	_ =	shalt  }
.Lfunc_end2:
_tile_overlayer_lowered:
.L_overlay_start_2:
0x134: {  	(tag) =	ssettag $0x2  }
0x135: {  	s0 =	rddreg [dreg:$0x0];
	s2 =	stileid.u32  }
0x136: {  	s1 =	rddreg [dreg:$0x1];
	p0 =	sne.s32 s2, $0x0  }
0x137: {  	s3 =	rddreg [dreg:$0x2];
	[bflag:$0x3] =	sbarrier.arrive $0xFFFF;
	s2 =	simm.s32 @!p0 $0x1C03  }
0x138: {  	[timem:s3], [sflag:s2] =	dma.local @!p0 [hbm:s0], s1  }
0x139: {  	s0 =	simm.s32 @!p0 $0x3  }
0x13a: {  	_ =	swait.ge @!p0 [sflag:s0], s1  }
0x13b: {  	s1 =	ssub.s32 @!p0 $0x0, s1;
	[sflag:s0] =	ssyncset.done @!p0 $0x0  }
0x13c: {  	[sflag:s0] =	ssyncadd.s32 @!p0 s1  }
0x13d: {  	[bflag:$0x3] =	sbarrier.arrive $0xFFFF  }
0x13e: {  	_ =	shalt  }

</sc_bundles>
